<compile_context>
chip_gen: v7x
topology: tpu7x:2x2x1
jax: 0.10.2.dev20260603
libtpu: 0.0.44.dev20260713+nightly
codegen_flags: <defaults>
</compile_context>

<pallas_src>
import functools

import jax
import jax.numpy as jnp
from jax import lax
from jax.experimental import pallas as pl
from jax.experimental.pallas import tpu as pltpu
from jax.experimental.pallas import tpu_sc as plsc

_TILE = 1024


_CHUNK = 128


def _vq_body(zr_ref, zi_ref, cb_ref, idx_ref, loss_ref, cn_ref, cb16_ref):
    i = pl.program_id(0)
    n_steps = pl.num_programs(0)
    n_codes = cb_ref.shape[0]
    n_chunks = n_codes // _CHUNK

    z = jnp.concatenate([zr_ref[...], zi_ref[...]], axis=1)
    z = jnp.clip(z, -5.0, 5.0)

    @pl.when(i == 0)
    def _cn():
        cb = cb_ref[...]
        cn_ref[...] = jnp.sum(cb * cb, axis=1).reshape(1, n_codes)
        cb16_ref[...] = cb.astype(jnp.bfloat16)

    zn = jnp.sum(z * z, axis=1, keepdims=True)
    z2 = z * (-2.0)
    t_full = zn + cn_ref[0:1, :]

    def _dot(j):
        cbj = cb_ref[pl.ds(j * _CHUNK, _CHUNK), :]
        return lax.dot_general(z2, cbj, (((1,), (1,)), ((), ())))

    z2h = z2.astype(jnp.bfloat16)

    def _dot16(j):
        cbj = cb16_ref[pl.ds(j * _CHUNK, _CHUNK), :]
        return lax.dot_general(z2h, cbj, (((1,), (1,)), ((), ())),
                               preferred_element_type=jnp.float32)

    acc_v = jnp.full((_TILE, _CHUNK), jnp.inf, jnp.float32)
    acc_j = jnp.zeros((_TILE, _CHUNK), jnp.int32)
    m2_cur = _dot16(0)
    for j in range(n_chunks):
        m2_next = _dot16(j + 1) if j + 1 < n_chunks else None
        d = t_full[:, j * _CHUNK:(j + 1) * _CHUNK] + m2_cur
        lt = d < acc_v
        acc_v = jnp.where(lt, d, acc_v)
        acc_j = jnp.where(lt, j, acc_j)
        m2_cur = m2_next

    mn = jnp.min(acc_v, axis=1, keepdims=True)
    lane = lax.broadcasted_iota(jnp.int32, (_TILE, _CHUNK), 1)
    full_idx = acc_j * _CHUNK + lane
    idx = jnp.min(jnp.where(acc_v == mn, full_idx, n_codes), axis=1)
    idx_ref[0, 0, :] = idx

    @pl.when(i == 0)
    def _init():
        loss_ref[...] = jnp.zeros((1, 1), jnp.float32)

    loss_ref[...] += jnp.sum(mn).reshape(1, 1)

    @pl.when(i == n_steps - 1)
    def _finish():
        numel = n_steps * _TILE * (2 * zr_ref.shape[1])
        loss_ref[...] = loss_ref[...] * (1.25 / numel)


def _argmin_distance(zr, zi, codebook):
    M, D = zr.shape
    N, D2 = codebook.shape
    grid = M // _TILE
    idx3, loss = pl.pallas_call(
        _vq_body,
        grid=(grid,),
        in_specs=[
            pl.BlockSpec((_TILE, D), lambda i: (i, 0)),
            pl.BlockSpec((_TILE, D), lambda i: (i, 0)),
            pl.BlockSpec((N, D2), lambda i: (0, 0)),
        ],
        out_specs=[
            pl.BlockSpec((1, 1, _TILE), lambda i: (i, 0, 0)),
            pl.BlockSpec((1, 1), lambda i: (0, 0)),
        ],
        out_shape=[
            jax.ShapeDtypeStruct((grid, 1, _TILE), jnp.int32),
            jax.ShapeDtypeStruct((1, 1), jnp.float32),
        ],
        scratch_shapes=[pltpu.VMEM((1, N), jnp.float32),
                        pltpu.VMEM((N, D2), jnp.bfloat16)],
    )(zr, zi, codebook)
    return idx3.reshape(M), loss[0, 0]


def _sc_gather(codebook, idx):
    N, D2 = codebook.shape
    (M,) = idx.shape
    NC, NS = 2, 16
    NW = NC * NS
    b_per_w = M // NW
    CH = 128
    n_ch = b_per_w // CH
    mesh = plsc.VectorSubcoreMesh(core_axis_name="c", subcore_axis_name="s")

    @functools.partial(
        pl.kernel,
        mesh=mesh,
        out_type=jax.ShapeDtypeStruct((M, D2), jnp.float32),
        scratch_types=[
            pltpu.VMEM((n_ch, CH), jnp.int32),
            pltpu.VMEM((n_ch, CH, D2), jnp.float32),
            pltpu.SemaphoreType.DMA,
        ],
    )
    def gather_kernel(table_hbm, idx_hbm, out_hbm, idx_v, rows_v, sem):
        wid = lax.axis_index("s") * NC + lax.axis_index("c")
        base = wid * b_per_w
        for j in range(n_ch):
            pltpu.sync_copy(idx_hbm.at[pl.ds(base + j * CH, CH)], idx_v.at[j])
        copies = [
            pltpu.async_copy(table_hbm.at[idx_v.at[j]], rows_v.at[j], sem)
            for j in range(n_ch)
        ]
        for c in copies:
            c.wait()
        for j in range(n_ch):
            pltpu.sync_copy(rows_v.at[j],
                            out_hbm.at[pl.ds(base + j * CH, CH)])

    return gather_kernel(codebook, idx)


def kernel(z_real, z_imag, codebook):
    B, T, D = z_real.shape
    M = B * T
    zr = z_real.reshape(M, D)
    zi = z_imag.reshape(M, D)

    idx, loss = _argmin_distance(zr, zi, codebook)
    zq = _sc_gather(codebook, idx)

    min_indices = idx.reshape(B, T)
    zq_real = zq[:, :D].reshape(B, T, D)
    zq_imag = zq[:, D:].reshape(B, T, D)
    return zq_real, zq_imag, loss, min_indices

# --- scband reference (transcript-rebuilt; emitter-appended) ---
"""Pipeline reference for scband-graph-memory-vq-24902220382594 (READ-ONLY COPY).

The authoritative reference and input builder live on the scoring server;
editing this copy changes nothing except your own understanding.
"""

import jax, jax.numpy as jnp
import numpy as np

LATENT_DIM = 64
N_SYMBOLS = 8192
COMMITMENT_COST = 0.25
B, T = 8, 1024


def setup_inputs(seed: int = 0) -> dict:
    key = jax.random.key(seed)
    k1, k2, k3 = jax.random.split(key, 3)
    z_real = jax.random.normal(k1, (B, T, LATENT_DIM), dtype=jnp.float32)
    z_imag = jax.random.normal(k2, (B, T, LATENT_DIM), dtype=jnp.float32)
    # nn.init.uniform_(codebook, -0.5, 0.5), shape [n_symbols, latent_dim*2]
    codebook = jax.random.uniform(k3, (N_SYMBOLS, 2 * LATENT_DIM), minval=-0.5, maxval=0.5, dtype=jnp.float32)
    return {"z_real": z_real, "z_imag": z_imag, "codebook": codebook}


def reference(z_real, z_imag, codebook):
    # torch complex z is represented as (z_real, z_imag)
    z_flat = jnp.concatenate([z_real, z_imag], axis=-1)
    z_flat = jnp.clip(z_flat, -5.0, 5.0)
    d = (jnp.sum(z_flat ** 2, axis=-1, keepdims=True)
         + jnp.sum(codebook ** 2, axis=-1)
         - 2.0 * jnp.matmul(z_flat, codebook.T))
    min_indices = jnp.argmin(d, axis=-1)
    z_q = jnp.take(codebook, min_indices, axis=0)  # F.embedding
    loss_vq = jnp.mean((z_q - jax.lax.stop_gradient(z_flat)) ** 2)
    loss_commit = jnp.mean((jax.lax.stop_gradient(z_q) - z_flat) ** 2)
    z_q_st = z_flat + jax.lax.stop_gradient(z_q - z_flat)  # straight-through
    D = z_real.shape[-1]
    zq_real = z_q_st[..., :D]
    zq_imag = z_q_st[..., D:]
    loss = loss_vq + COMMITMENT_COST * loss_commit
    return zq_real, zq_imag, loss, min_indices

if __name__ == "__main__":
    import jax
    _d = setup_inputs()
    print(jax.jit(kernel)(*tuple(_d.values())))

</pallas_src>

<mosaic_0001>
#map = affine_map<(d0, d1) -> (0, 0)>
#map1 = affine_map<(d0, d1) -> (0)>
module attributes {stable_mosaic.version = 14 : i64} {
  func.func @gather_kernel(%arg0: i32, %arg1: i32, %arg2: memref<8192x128xf32, #tpu.memory_space<hbm>>, %arg3: memref<8192xi32, #tpu.memory_space<hbm>>, %arg4: memref<8192x128xf32, #tpu.memory_space<hbm>>, %arg5: memref<2x128xi32, #tpu.memory_space<vmem>>, %arg6: memref<2x128x128xf32, #tpu.memory_space<vmem>>, %arg7: memref<!tpu.dma_semaphore, #tpu.memory_space<semaphore_mem>>) attributes {dimension_semantics = [#tpu.dimension_semantics<core_parallel>, #tpu.dimension_semantics<subcore_parallel>], iteration_bounds = array<i64: 2, 16>, scalar_prefetch = 0 : i64, scratch_operands = 3 : i64, tpu.core_type = #tpu.core_type<sc_vector_subcore>, window_params = [{transform_indices = #map}, {transform_indices = #map1}, {transform_indices = #map}]} {
    %mul3A = arith.constant 2 : i32
    %mul3A_0 = arith.muli %arg1, %mul3A : i32
    %add3A = arith.addi %mul3A_0, %arg0 : i32
    %mul3A_1 = arith.constant 256 : i32
    %mul3A_2 = arith.muli %add3A, %mul3A_1 : i32
    %add3A_3 = arith.constant 0 : i32
    %add3A_4 = arith.addi %mul3A_2, %add3A_3 : i32
    %run_scoped3A = arith.constant 0 : i32
    "tpu.region"() ({
      %run_scoped3A_60 = tpu.sem_alloc : memref<!tpu.dma_semaphore, #tpu.memory_space<semaphore_mem>>
      %dma_start3A_61 = arith.constant 0 : i32
      %dma_start3A_62 = tpu.memref_slice %arg5[%run_scoped3A, %dma_start3A_61] : memref<2x128xi32, #tpu.memory_space<vmem>> -> memref<1x128xi32, #tpu.memory_space<vmem>>
      %dma_start3A_63 = tpu.memref_squeeze %dma_start3A_62 : memref<1x128xi32, #tpu.memory_space<vmem>> -> memref<128xi32, #tpu.memory_space<vmem>>
      %dma_start3A_64 = tpu.memref_slice %arg3[%add3A_4] : memref<8192xi32, #tpu.memory_space<hbm>> -> memref<128xi32, #tpu.memory_space<hbm>>
      %dma_start3A_65 = arith.constant 0 : i32
      %dma_start3A_66 = tpu.memref_slice %arg5[%run_scoped3A, %dma_start3A_65] : memref<2x128xi32, #tpu.memory_space<vmem>> -> memref<1x128xi32, #tpu.memory_space<vmem>>
      %dma_start3A_67 = tpu.memref_squeeze %dma_start3A_66 : memref<1x128xi32, #tpu.memory_space<vmem>> -> memref<128xi32, #tpu.memory_space<vmem>>
      %dma_start3A_68 = tpu.memref_slice %arg3[%add3A_4] : memref<8192xi32, #tpu.memory_space<hbm>> -> memref<128xi32, #tpu.memory_space<hbm>>
      tpu.enqueue_dma source(%dma_start3A_68 : memref<128xi32, #tpu.memory_space<hbm>>) target(%dma_start3A_67 : memref<128xi32, #tpu.memory_space<vmem>>) target_semaphore(%run_scoped3A_60 : memref<!tpu.dma_semaphore, #tpu.memory_space<semaphore_mem>>)
      %dma_wait3A_69 = arith.constant 0 : i32
      %dma_wait3A_70 = tpu.memref_slice %arg5[%run_scoped3A, %dma_wait3A_69] : memref<2x128xi32, #tpu.memory_space<vmem>> -> memref<1x128xi32, #tpu.memory_space<vmem>>
      %dma_wait3A_71 = tpu.memref_squeeze %dma_wait3A_70 : memref<1x128xi32, #tpu.memory_space<vmem>> -> memref<128xi32, #tpu.memory_space<vmem>>
      %dma_wait3A_72 = tpu.memref_slice %arg3[%add3A_4] : memref<8192xi32, #tpu.memory_space<hbm>> -> memref<128xi32, #tpu.memory_space<hbm>>
      %dma_wait3A_73 = arith.constant 0 : i32
      %dma_wait3A_74 = tpu.memref_slice %arg5[%run_scoped3A, %dma_wait3A_73] : memref<2x128xi32, #tpu.memory_space<vmem>> -> memref<1x128xi32, #tpu.memory_space<vmem>>
      %dma_wait3A_75 = tpu.memref_squeeze %dma_wait3A_74 : memref<1x128xi32, #tpu.memory_space<vmem>> -> memref<128xi32, #tpu.memory_space<vmem>>
      %dma_wait3A_76 = tpu.memref_slice %arg3[%add3A_4] : memref<8192xi32, #tpu.memory_space<hbm>> -> memref<128xi32, #tpu.memory_space<hbm>>
      tpu.wait_dma2 semaphore(%run_scoped3A_60 : memref<!tpu.dma_semaphore, #tpu.memory_space<semaphore_mem>>) src(%dma_wait3A_76 : memref<128xi32, #tpu.memory_space<hbm>>) dst(%dma_wait3A_75 : memref<128xi32, #tpu.memory_space<vmem>>)
      tpu.yield
    }) : () -> ()
    %add3A_5 = arith.constant 128 : i32
    %add3A_6 = arith.addi %mul3A_2, %add3A_5 : i32
    %run_scoped3A_7 = arith.constant 1 : i32
    "tpu.region"() ({
      %run_scoped3A_60 = tpu.sem_alloc : memref<!tpu.dma_semaphore, #tpu.memory_space<semaphore_mem>>
      %dma_start3A_61 = arith.constant 0 : i32
      %dma_start3A_62 = tpu.memref_slice %arg5[%run_scoped3A_7, %dma_start3A_61] : memref<2x128xi32, #tpu.memory_space<vmem>> -> memref<1x128xi32, #tpu.memory_space<vmem>>
      %dma_start3A_63 = tpu.memref_squeeze %dma_start3A_62 : memref<1x128xi32, #tpu.memory_space<vmem>> -> memref<128xi32, #tpu.memory_space<vmem>>
      %dma_start3A_64 = tpu.memref_slice %arg3[%add3A_6] : memref<8192xi32, #tpu.memory_space<hbm>> -> memref<128xi32, #tpu.memory_space<hbm>>
      %dma_start3A_65 = arith.constant 0 : i32
      %dma_start3A_66 = tpu.memref_slice %arg5[%run_scoped3A_7, %dma_start3A_65] : memref<2x128xi32, #tpu.memory_space<vmem>> -> memref<1x128xi32, #tpu.memory_space<vmem>>
      %dma_start3A_67 = tpu.memref_squeeze %dma_start3A_66 : memref<1x128xi32, #tpu.memory_space<vmem>> -> memref<128xi32, #tpu.memory_space<vmem>>
      %dma_start3A_68 = tpu.memref_slice %arg3[%add3A_6] : memref<8192xi32, #tpu.memory_space<hbm>> -> memref<128xi32, #tpu.memory_space<hbm>>
      tpu.enqueue_dma source(%dma_start3A_68 : memref<128xi32, #tpu.memory_space<hbm>>) target(%dma_start3A_67 : memref<128xi32, #tpu.memory_space<vmem>>) target_semaphore(%run_scoped3A_60 : memref<!tpu.dma_semaphore, #tpu.memory_space<semaphore_mem>>)
      %dma_wait3A_69 = arith.constant 0 : i32
      %dma_wait3A_70 = tpu.memref_slice %arg5[%run_scoped3A_7, %dma_wait3A_69] : memref<2x128xi32, #tpu.memory_space<vmem>> -> memref<1x128xi32, #tpu.memory_space<vmem>>
      %dma_wait3A_71 = tpu.memref_squeeze %dma_wait3A_70 : memref<1x128xi32, #tpu.memory_space<vmem>> -> memref<128xi32, #tpu.memory_space<vmem>>
      %dma_wait3A_72 = tpu.memref_slice %arg3[%add3A_6] : memref<8192xi32, #tpu.memory_space<hbm>> -> memref<128xi32, #tpu.memory_space<hbm>>
      %dma_wait3A_73 = arith.constant 0 : i32
      %dma_wait3A_74 = tpu.memref_slice %arg5[%run_scoped3A_7, %dma_wait3A_73] : memref<2x128xi32, #tpu.memory_space<vmem>> -> memref<1x128xi32, #tpu.memory_space<vmem>>
      %dma_wait3A_75 = tpu.memref_squeeze %dma_wait3A_74 : memref<1x128xi32, #tpu.memory_space<vmem>> -> memref<128xi32, #tpu.memory_space<vmem>>
      %dma_wait3A_76 = tpu.memref_slice %arg3[%add3A_6] : memref<8192xi32, #tpu.memory_space<hbm>> -> memref<128xi32, #tpu.memory_space<hbm>>
      tpu.wait_dma2 semaphore(%run_scoped3A_60 : memref<!tpu.dma_semaphore, #tpu.memory_space<semaphore_mem>>) src(%dma_wait3A_76 : memref<128xi32, #tpu.memory_space<hbm>>) dst(%dma_wait3A_75 : memref<128xi32, #tpu.memory_space<vmem>>)
      tpu.yield
    }) : () -> ()
    %dma_start3A = arith.constant 0 : i32
    %dma_start3A_8 = arith.constant 0 : i32
    %dma_start3A_9 = arith.constant 0 : i32
    %dma_start3A_10 = arith.constant 0 : i32
    %dma_start3A_11 = tpu.memref_slice %arg6[%dma_start3A_8, %dma_start3A_9, %dma_start3A_10] : memref<2x128x128xf32, #tpu.memory_space<vmem>> -> memref<1x128x128xf32, #tpu.memory_space<vmem>>
    %dma_start3A_12 = tpu.memref_squeeze %dma_start3A_11 : memref<1x128x128xf32, #tpu.memory_space<vmem>> -> memref<128x128xf32, #tpu.memory_space<vmem>>
    %dma_start3A_13 = arith.constant 0 : i32
    %dma_start3A_14 = tpu.memref_slice %arg5[%dma_start3A, %dma_start3A_13] : memref<2x128xi32, #tpu.memory_space<vmem>> -> memref<1x128xi32, #tpu.memory_space<vmem>>
    %dma_start3A_15 = tpu.memref_squeeze %dma_start3A_14 : memref<1x128xi32, #tpu.memory_space<vmem>> -> memref<128xi32, #tpu.memory_space<vmem>>
    %dma_start3A_16 = arith.constant 0 : i32
    %dma_start3A_17 = arith.constant 0 : i32
    %dma_start3A_18 = tpu.memref_slice %arg2[%dma_start3A_16, %dma_start3A_17] : memref<8192x128xf32, #tpu.memory_space<hbm>> -> memref<8192x128xf32, #tpu.memory_space<hbm>>
    tpu.enqueue_indirect_dma source(%dma_start3A_18 : memref<8192x128xf32, #tpu.memory_space<hbm>>) target(%dma_start3A_12 : memref<128x128xf32, #tpu.memory_space<vmem>>) offsets(%dma_start3A_15 : memref<128xi32, #tpu.memory_space<vmem>>) semaphore(%arg7 : memref<!tpu.dma_semaphore, #tpu.memory_space<semaphore_mem>>)
    %dma_start3A_19 = arith.constant 1 : i32
    %dma_start3A_20 = arith.constant 1 : i32
    %dma_start3A_21 = arith.constant 0 : i32
    %dma_start3A_22 = arith.constant 0 : i32
    %dma_start3A_23 = tpu.memref_slice %arg6[%dma_start3A_20, %dma_start3A_21, %dma_start3A_22] : memref<2x128x128xf32, #tpu.memory_space<vmem>> -> memref<1x128x128xf32, #tpu.memory_space<vmem>>
    %dma_start3A_24 = tpu.memref_squeeze %dma_start3A_23 : memref<1x128x128xf32, #tpu.memory_space<vmem>> -> memref<128x128xf32, #tpu.memory_space<vmem>>
    %dma_start3A_25 = arith.constant 0 : i32
    %dma_start3A_26 = tpu.memref_slice %arg5[%dma_start3A_19, %dma_start3A_25] : memref<2x128xi32, #tpu.memory_space<vmem>> -> memref<1x128xi32, #tpu.memory_space<vmem>>
    %dma_start3A_27 = tpu.memref_squeeze %dma_start3A_26 : memref<1x128xi32, #tpu.memory_space<vmem>> -> memref<128xi32, #tpu.memory_space<vmem>>
    %dma_start3A_28 = arith.constant 0 : i32
    %dma_start3A_29 = arith.constant 0 : i32
    %dma_start3A_30 = tpu.memref_slice %arg2[%dma_start3A_28, %dma_start3A_29] : memref<8192x128xf32, #tpu.memory_space<hbm>> -> memref<8192x128xf32, #tpu.memory_space<hbm>>
    tpu.enqueue_indirect_dma source(%dma_start3A_30 : memref<8192x128xf32, #tpu.memory_space<hbm>>) target(%dma_start3A_24 : memref<128x128xf32, #tpu.memory_space<vmem>>) offsets(%dma_start3A_27 : memref<128xi32, #tpu.memory_space<vmem>>) semaphore(%arg7 : memref<!tpu.dma_semaphore, #tpu.memory_space<semaphore_mem>>)
    %dma_wait3A = arith.constant 0 : i32
    %dma_wait3A_31 = arith.constant 0 : i32
    %dma_wait3A_32 = arith.constant 0 : i32
    %dma_wait3A_33 = arith.constant 0 : i32
    %dma_wait3A_34 = tpu.memref_slice %arg6[%dma_wait3A_31, %dma_wait3A_32, %dma_wait3A_33] : memref<2x128x128xf32, #tpu.memory_space<vmem>> -> memref<1x128x128xf32, #tpu.memory_space<vmem>>
    %dma_wait3A_35 = tpu.memref_squeeze %dma_wait3A_34 : memref<1x128x128xf32, #tpu.memory_space<vmem>> -> memref<128x128xf32, #tpu.memory_space<vmem>>
    %dma_wait3A_36 = arith.constant 0 : i32
    %dma_wait3A_37 = tpu.memref_slice %arg5[%dma_wait3A, %dma_wait3A_36] : memref<2x128xi32, #tpu.memory_space<vmem>> -> memref<1x128xi32, #tpu.memory_space<vmem>>
    %dma_wait3A_38 = tpu.memref_squeeze %dma_wait3A_37 : memref<1x128xi32, #tpu.memory_space<vmem>> -> memref<128xi32, #tpu.memory_space<vmem>>
    %dma_wait3A_39 = arith.constant 0 : i32
    %dma_wait3A_40 = arith.constant 0 : i32
    %dma_wait3A_41 = tpu.memref_slice %arg2[%dma_wait3A_39, %dma_wait3A_40] : memref<8192x128xf32, #tpu.memory_space<hbm>> -> memref<8192x128xf32, #tpu.memory_space<hbm>>
    tpu.wait_indirect_dma semaphore(%arg7 : memref<!tpu.dma_semaphore, #tpu.memory_space<semaphore_mem>>) src(%dma_wait3A_41 : memref<8192x128xf32, #tpu.memory_space<hbm>>) dst(%dma_wait3A_35 : memref<128x128xf32, #tpu.memory_space<vmem>>)
    %dma_wait3A_42 = arith.constant 1 : i32
    %dma_wait3A_43 = arith.constant 1 : i32
    %dma_wait3A_44 = arith.constant 0 : i32
    %dma_wait3A_45 = arith.constant 0 : i32
    %dma_wait3A_46 = tpu.memref_slice %arg6[%dma_wait3A_43, %dma_wait3A_44, %dma_wait3A_45] : memref<2x128x128xf32, #tpu.memory_space<vmem>> -> memref<1x128x128xf32, #tpu.memory_space<vmem>>
    %dma_wait3A_47 = tpu.memref_squeeze %dma_wait3A_46 : memref<1x128x128xf32, #tpu.memory_space<vmem>> -> memref<128x128xf32, #tpu.memory_space<vmem>>
    %dma_wait3A_48 = arith.constant 0 : i32
    %dma_wait3A_49 = tpu.memref_slice %arg5[%dma_wait3A_42, %dma_wait3A_48] : memref<2x128xi32, #tpu.memory_space<vmem>> -> memref<1x128xi32, #tpu.memory_space<vmem>>
    %dma_wait3A_50 = tpu.memref_squeeze %dma_wait3A_49 : memref<1x128xi32, #tpu.memory_space<vmem>> -> memref<128xi32, #tpu.memory_space<vmem>>
    %dma_wait3A_51 = arith.constant 0 : i32
    %dma_wait3A_52 = arith.constant 0 : i32
    %dma_wait3A_53 = tpu.memref_slice %arg2[%dma_wait3A_51, %dma_wait3A_52] : memref<8192x128xf32, #tpu.memory_space<hbm>> -> memref<8192x128xf32, #tpu.memory_space<hbm>>
    tpu.wait_indirect_dma semaphore(%arg7 : memref<!tpu.dma_semaphore, #tpu.memory_space<semaphore_mem>>) src(%dma_wait3A_53 : memref<8192x128xf32, #tpu.memory_space<hbm>>) dst(%dma_wait3A_47 : memref<128x128xf32, #tpu.memory_space<vmem>>)
    %add3A_54 = arith.constant 0 : i32
    %add3A_55 = arith.addi %mul3A_2, %add3A_54 : i32
    %run_scoped3A_56 = arith.constant 0 : i32
    "tpu.region"() ({
      %run_scoped3A_60 = tpu.sem_alloc : memref<!tpu.dma_semaphore, #tpu.memory_space<semaphore_mem>>
      %dma_start3A_61 = arith.constant 0 : i32
      %dma_start3A_62 = arith.constant 0 : i32
      %dma_start3A_63 = tpu.memref_slice %arg6[%run_scoped3A_56, %dma_start3A_61, %dma_start3A_62] : memref<2x128x128xf32, #tpu.memory_space<vmem>> -> memref<1x128x128xf32, #tpu.memory_space<vmem>>
      %dma_start3A_64 = tpu.memref_squeeze %dma_start3A_63 : memref<1x128x128xf32, #tpu.memory_space<vmem>> -> memref<128x128xf32, #tpu.memory_space<vmem>>
      %dma_start3A_65 = arith.constant 0 : i32
      %dma_start3A_66 = tpu.memref_slice %arg4[%add3A_55, %dma_start3A_65] : memref<8192x128xf32, #tpu.memory_space<hbm>> -> memref<128x128xf32, #tpu.memory_space<hbm>>
      %dma_start3A_67 = arith.constant 0 : i32
      %dma_start3A_68 = tpu.memref_slice %arg4[%add3A_55, %dma_start3A_67] : memref<8192x128xf32, #tpu.memory_space<hbm>> -> memref<128x128xf32, #tpu.memory_space<hbm>>
      %dma_start3A_69 = arith.constant 0 : i32
      %dma_start3A_70 = arith.constant 0 : i32
      %dma_start3A_71 = tpu.memref_slice %arg6[%run_scoped3A_56, %dma_start3A_69, %dma_start3A_70] : memref<2x128x128xf32, #tpu.memory_space<vmem>> -> memref<1x128x128xf32, #tpu.memory_space<vmem>>
      %dma_start3A_72 = tpu.memref_squeeze %dma_start3A_71 : memref<1x128x128xf32, #tpu.memory_space<vmem>> -> memref<128x128xf32, #tpu.memory_space<vmem>>
      tpu.enqueue_dma source(%dma_start3A_72 : memref<128x128xf32, #tpu.memory_space<vmem>>) target(%dma_start3A_68 : memref<128x128xf32, #tpu.memory_space<hbm>>) target_semaphore(%run_scoped3A_60 : memref<!tpu.dma_semaphore, #tpu.memory_space<semaphore_mem>>)
      %dma_wait3A_73 = arith.constant 0 : i32
      %dma_wait3A_74 = arith.constant 0 : i32
      %dma_wait3A_75 = tpu.memref_slice %arg6[%run_scoped3A_56, %dma_wait3A_73, %dma_wait3A_74] : memref<2x128x128xf32, #tpu.memory_space<vmem>> -> memref<1x128x128xf32, #tpu.memory_space<vmem>>
      %dma_wait3A_76 = tpu.memref_squeeze %dma_wait3A_75 : memref<1x128x128xf32, #tpu.memory_space<vmem>> -> memref<128x128xf32, #tpu.memory_space<vmem>>
      %dma_wait3A_77 = arith.constant 0 : i32
      %dma_wait3A_78 = tpu.memref_slice %arg4[%add3A_55, %dma_wait3A_77] : memref<8192x128xf32, #tpu.memory_space<hbm>> -> memref<128x128xf32, #tpu.memory_space<hbm>>
      %dma_wait3A_79 = arith.constant 0 : i32
      %dma_wait3A_80 = tpu.memref_slice %arg4[%add3A_55, %dma_wait3A_79] : memref<8192x128xf32, #tpu.memory_space<hbm>> -> memref<128x128xf32, #tpu.memory_space<hbm>>
      %dma_wait3A_81 = arith.constant 0 : i32
      %dma_wait3A_82 = arith.constant 0 : i32
      %dma_wait3A_83 = tpu.memref_slice %arg6[%run_scoped3A_56, %dma_wait3A_81, %dma_wait3A_82] : memref<2x128x128xf32, #tpu.memory_space<vmem>> -> memref<1x128x128xf32, #tpu.memory_space<vmem>>
      %dma_wait3A_84 = tpu.memref_squeeze %dma_wait3A_83 : memref<1x128x128xf32, #tpu.memory_space<vmem>> -> memref<128x128xf32, #tpu.memory_space<vmem>>
      tpu.wait_dma2 semaphore(%run_scoped3A_60 : memref<!tpu.dma_semaphore, #tpu.memory_space<semaphore_mem>>) src(%dma_wait3A_84 : memref<128x128xf32, #tpu.memory_space<vmem>>) dst(%dma_wait3A_80 : memref<128x128xf32, #tpu.memory_space<hbm>>)
      tpu.yield
    }) : () -> ()
    %add3A_57 = arith.constant 128 : i32
    %add3A_58 = arith.addi %mul3A_2, %add3A_57 : i32
    %run_scoped3A_59 = arith.constant 1 : i32
    "tpu.region"() ({
      %run_scoped3A_60 = tpu.sem_alloc : memref<!tpu.dma_semaphore, #tpu.memory_space<semaphore_mem>>
      %dma_start3A_61 = arith.constant 0 : i32
      %dma_start3A_62 = arith.constant 0 : i32
      %dma_start3A_63 = tpu.memref_slice %arg6[%run_scoped3A_59, %dma_start3A_61, %dma_start3A_62] : memref<2x128x128xf32, #tpu.memory_space<vmem>> -> memref<1x128x128xf32, #tpu.memory_space<vmem>>
      %dma_start3A_64 = tpu.memref_squeeze %dma_start3A_63 : memref<1x128x128xf32, #tpu.memory_space<vmem>> -> memref<128x128xf32, #tpu.memory_space<vmem>>
      %dma_start3A_65 = arith.constant 0 : i32
      %dma_start3A_66 = tpu.memref_slice %arg4[%add3A_58, %dma_start3A_65] : memref<8192x128xf32, #tpu.memory_space<hbm>> -> memref<128x128xf32, #tpu.memory_space<hbm>>
      %dma_start3A_67 = arith.constant 0 : i32
      %dma_start3A_68 = tpu.memref_slice %arg4[%add3A_58, %dma_start3A_67] : memref<8192x128xf32, #tpu.memory_space<hbm>> -> memref<128x128xf32, #tpu.memory_space<hbm>>
      %dma_start3A_69 = arith.constant 0 : i32
      %dma_start3A_70 = arith.constant 0 : i32
      %dma_start3A_71 = tpu.memref_slice %arg6[%run_scoped3A_59, %dma_start3A_69, %dma_start3A_70] : memref<2x128x128xf32, #tpu.memory_space<vmem>> -> memref<1x128x128xf32, #tpu.memory_space<vmem>>
      %dma_start3A_72 = tpu.memref_squeeze %dma_start3A_71 : memref<1x128x128xf32, #tpu.memory_space<vmem>> -> memref<128x128xf32, #tpu.memory_space<vmem>>
      tpu.enqueue_dma source(%dma_start3A_72 : memref<128x128xf32, #tpu.memory_space<vmem>>) target(%dma_start3A_68 : memref<128x128xf32, #tpu.memory_space<hbm>>) target_semaphore(%run_scoped3A_60 : memref<!tpu.dma_semaphore, #tpu.memory_space<semaphore_mem>>)
      %dma_wait3A_73 = arith.constant 0 : i32
      %dma_wait3A_74 = arith.constant 0 : i32
      %dma_wait3A_75 = tpu.memref_slice %arg6[%run_scoped3A_59, %dma_wait3A_73, %dma_wait3A_74] : memref<2x128x128xf32, #tpu.memory_space<vmem>> -> memref<1x128x128xf32, #tpu.memory_space<vmem>>
      %dma_wait3A_76 = tpu.memref_squeeze %dma_wait3A_75 : memref<1x128x128xf32, #tpu.memory_space<vmem>> -> memref<128x128xf32, #tpu.memory_space<vmem>>
      %dma_wait3A_77 = arith.constant 0 : i32
      %dma_wait3A_78 = tpu.memref_slice %arg4[%add3A_58, %dma_wait3A_77] : memref<8192x128xf32, #tpu.memory_space<hbm>> -> memref<128x128xf32, #tpu.memory_space<hbm>>
      %dma_wait3A_79 = arith.constant 0 : i32
      %dma_wait3A_80 = tpu.memref_slice %arg4[%add3A_58, %dma_wait3A_79] : memref<8192x128xf32, #tpu.memory_space<hbm>> -> memref<128x128xf32, #tpu.memory_space<hbm>>
      %dma_wait3A_81 = arith.constant 0 : i32
      %dma_wait3A_82 = arith.constant 0 : i32
      %dma_wait3A_83 = tpu.memref_slice %arg6[%run_scoped3A_59, %dma_wait3A_81, %dma_wait3A_82] : memref<2x128x128xf32, #tpu.memory_space<vmem>> -> memref<1x128x128xf32, #tpu.memory_space<vmem>>
      %dma_wait3A_84 = tpu.memref_squeeze %dma_wait3A_83 : memref<1x128x128xf32, #tpu.memory_space<vmem>> -> memref<128x128xf32, #tpu.memory_space<vmem>>
      tpu.wait_dma2 semaphore(%run_scoped3A_60 : memref<!tpu.dma_semaphore, #tpu.memory_space<semaphore_mem>>) src(%dma_wait3A_84 : memref<128x128xf32, #tpu.memory_space<vmem>>) dst(%dma_wait3A_80 : memref<128x128xf32, #tpu.memory_space<hbm>>)
      tpu.yield
    }) : () -> ()
    return
  }
}

module attributes {stable_mosaic.version = 14 : i64} {
  func.func @_vq_body(%arg0: i32, %arg1: memref<1024x64xf32, #tpu.memory_space<vmem>>, %arg2: memref<1024x64xf32, #tpu.memory_space<vmem>>, %arg3: memref<8192x128xf32, #tpu.memory_space<vmem>>, %arg4: memref<1x1x1024xi32, #tpu.memory_space<vmem>>, %arg5: memref<1x1xf32, #tpu.memory_space<vmem>>, %arg6: memref<1x8192xf32, #tpu.memory_space<vmem>>, %arg7: memref<8192x128xbf16, #tpu.memory_space<vmem>>) attributes {dimension_semantics = [#tpu.dimension_semantics<arbitrary>], iteration_bounds = array<i64: 8>, scalar_prefetch = 0 : i64, scratch_operands = 2 : i64, tpu.core_type = #tpu.core_type<tc>, window_params = [{transform_indices = @transform_0, window_bounds = array<i64: 1024, 64>}, {transform_indices = @transform_1, window_bounds = array<i64: 1024, 64>}, {pipeline_mode = #tpu.pipeline_mode<synchronous>, transform_indices = @transform_2, window_bounds = array<i64: 8192, 128>}, {transform_indices = @transform_3, window_bounds = array<i64: 1, 1, 1024>}, {pipeline_mode = #tpu.pipeline_mode<synchronous>, transform_indices = @transform_4, window_bounds = array<i64: 1, 1>}]} {
    %get3A = arith.constant 0 : index
    %get3A_0 = arith.constant 0 : index
    %get3A_1 = vector.load %arg1[%get3A, %get3A_0] : memref<1024x64xf32, #tpu.memory_space<vmem>>, vector<1024x64xf32>
    %get3A_2 = arith.constant 0 : index
    %get3A_3 = arith.constant 0 : index
    %get3A_4 = vector.load %arg2[%get3A_2, %get3A_3] : memref<1024x64xf32, #tpu.memory_space<vmem>>, vector<1024x64xf32>
    %concatenate3A = tpu.concatenate %get3A_1, %get3A_4 in 1 : vector<1024x64xf32>, vector<1024x64xf32> -> vector<1024x128xf32>
    %jit3A = arith.constant -5.000000e+00 : f32
    %jit3A_5 = arith.constant 5.000000e+00 : f32
    %max3A = vector.broadcast %jit3A : f32 to vector<1024x128xf32>
    %max3A_6 = arith.maximumf %max3A, %concatenate3A : vector<1024x128xf32>
    %min3A = vector.broadcast %jit3A_5 : f32 to vector<1024x128xf32>
    %min3A_7 = arith.minimumf %min3A, %max3A_6 : vector<1024x128xf32>
    %eq3A = arith.constant 0 : i32
    %eq3A_8 = arith.cmpi eq, %arg0, %eq3A : i32
    %convert_element_type3A = arith.extui %eq3A_8 : i1 to i32
    %cond3A = arith.constant 0 : i32
    %cond3A_9 = arith.cmpi ne, %convert_element_type3A, %cond3A : i32
    scf.if %cond3A_9 {
      %get3A_828 = arith.constant 0 : index
      %get3A_829 = arith.constant 0 : index
      %get3A_830 = vector.load %arg3[%get3A_828, %get3A_829] : memref<8192x128xf32, #tpu.memory_space<vmem>>, vector<8192x128xf32>
      %mul3A_831 = arith.mulf %get3A_830, %get3A_830 : vector<8192x128xf32>
      %reduce_sum3A_832 = arith.constant dense<0.000000e+00> : vector<8192xf32>
      %reduce_sum3A_833 = vector.multi_reduction <add>, %mul3A_831, %reduce_sum3A_832 [1] : vector<8192x128xf32> to vector<8192xf32>
      %reshape3A_834 = vector.shape_cast %reduce_sum3A_833 : vector<8192xf32> to vector<1x8192xf32>
      %swap3A_835 = arith.constant 0 : index
      %swap3A_836 = arith.constant 0 : index
      %swap3A_837 = vector.load %arg6[%swap3A_835, %swap3A_836] : memref<1x8192xf32, #tpu.memory_space<vmem>>, vector<1x8192xf32>
      tpu.vector_store %arg6[%swap3A_835, %swap3A_836], %reshape3A_834 {strides = array<i32>} : memref<1x8192xf32, #tpu.memory_space<vmem>>, vector<1x8192xf32>,
      %convert_element_type3A_838 = arith.truncf %get3A_830 : vector<8192x128xf32> to vector<8192x128xbf16>
      %swap3A_839 = arith.constant 0 : index
      %swap3A_840 = arith.constant 0 : index
      %swap3A_841 = vector.load %arg7[%swap3A_839, %swap3A_840] : memref<8192x128xbf16, #tpu.memory_space<vmem>>, vector<8192x128xbf16>
      tpu.vector_store %arg7[%swap3A_839, %swap3A_840], %convert_element_type3A_838 {strides = array<i32>} : memref<8192x128xbf16, #tpu.memory_space<vmem>>, vector<8192x128xbf16>,
    } else {
    }
    %mul3A = arith.mulf %min3A_7, %min3A_7 : vector<1024x128xf32>
    %reduce_sum3A = arith.constant dense<0.000000e+00> : vector<1024xf32>
    %reduce_sum3A_10 = vector.multi_reduction <add>, %mul3A, %reduce_sum3A [1] : vector<1024x128xf32> to vector<1024xf32>
    %broadcast_in_dim3A = vector.shape_cast %reduce_sum3A_10 : vector<1024xf32> to vector<1024x1xf32>
    %mul3A_11 = arith.constant -2.000000e+00 : f32
    %mul3A_12 = vector.broadcast %mul3A_11 : f32 to vector<1024x128xf32>
    %mul3A_13 = arith.mulf %min3A_7, %mul3A_12 : vector<1024x128xf32>
    %get3A_14 = arith.constant 0 : index
    %get3A_15 = arith.constant 0 : index
    %get3A_16 = vector.load %arg6[%get3A_14, %get3A_15] : memref<1x8192xf32, #tpu.memory_space<vmem>>, vector<1x8192xf32>
    %add3A = vector.broadcast %broadcast_in_dim3A : vector<1024x1xf32> to vector<1024x8192xf32>
    %add3A_17 = vector.broadcast %get3A_16 : vector<1x8192xf32> to vector<1024x8192xf32>
    %add3A_18 = arith.addf %add3A, %add3A_17 : vector<1024x8192xf32>
    %convert_element_type3A_19 = arith.truncf %mul3A_13 : vector<1024x128xf32> to vector<1024x128xbf16>
    %broadcast_in_dim3A_20 = arith.constant 0x7F800000 : f32
    %broadcast_in_dim3A_21 = vector.broadcast %broadcast_in_dim3A_20 : f32 to vector<1024x128xf32>
    %broadcast_in_dim3A_22 = arith.constant 0 : i32
    %broadcast_in_dim3A_23 = vector.broadcast %broadcast_in_dim3A_22 : i32 to vector<1024x128xi32>
    %get3A_24 = arith.constant 0 : index
    %get3A_25 = arith.constant 0 : index
    %get3A_26 = vector.load %arg7[%get3A_24, %get3A_25] : memref<8192x128xbf16, #tpu.memory_space<vmem>>, vector<128x128xbf16>
    %dot_general3A = arith.constant dense<0.000000e+00> : vector<1024x128xf32>
    %dot_general3A_27 = tpu.matmul %convert_element_type3A_19, %get3A_26, %dot_general3A {dimension_numbers = #tpu.dot_dimension_numbers<[1], [1], [0], [0], [0, 0, 1, 0], [], []>, transpose_lhs_hint = false} : vector<1024x128xbf16>, vector<128x128xbf16>, vector<1024x128xf32> -> vector<1024x128xf32>
    %get3A_28 = arith.constant 128 : index
    %get3A_29 = arith.constant 0 : index
    %get3A_30 = vector.load %arg7[%get3A_28, %get3A_29] : memref<8192x128xbf16, #tpu.memory_space<vmem>>, vector<128x128xbf16>
    %dot_general3A_31 = arith.constant dense<0.000000e+00> : vector<1024x128xf32>
    %dot_general3A_32 = tpu.matmul %convert_element_type3A_19, %get3A_30, %dot_general3A_31 {dimension_numbers = #tpu.dot_dimension_numbers<[1], [1], [0], [0], [0, 0, 1, 0], [], []>, transpose_lhs_hint = false} : vector<1024x128xbf16>, vector<128x128xbf16>, vector<1024x128xf32> -> vector<1024x128xf32>
    %slice3A = vector.extract_strided_slice %add3A_18 {offsets = [0, 0], sizes = [1024, 128], strides = [1, 1]} : vector<1024x8192xf32> to vector<1024x128xf32>
    %add3A_33 = arith.addf %slice3A, %dot_general3A_27 : vector<1024x128xf32>
    %lt3A = arith.cmpf olt, %add3A_33, %broadcast_in_dim3A_21 : vector<1024x128xf32>
    %select_n3A = arith.select %lt3A, %add3A_33, %broadcast_in_dim3A_21 : vector<1024x128xi1>, vector<1024x128xf32>
    %jit3A_34 = arith.constant 0 : i32
    %broadcast_in_dim3A_35 = vector.broadcast %jit3A_34 : i32 to vector<1024x128xi32>
    %select_n3A_36 = arith.select %lt3A, %broadcast_in_dim3A_35, %broadcast_in_dim3A_23 : vector<1024x128xi1>, vector<1024x128xi32>
    %get3A_37 = arith.constant 256 : index
    %get3A_38 = arith.constant 0 : index
    %get3A_39 = vector.load %arg7[%get3A_37, %get3A_38] : memref<8192x128xbf16, #tpu.memory_space<vmem>>, vector<128x128xbf16>
    %dot_general3A_40 = arith.constant dense<0.000000e+00> : vector<1024x128xf32>
    %dot_general3A_41 = tpu.matmul %convert_element_type3A_19, %get3A_39, %dot_general3A_40 {dimension_numbers = #tpu.dot_dimension_numbers<[1], [1], [0], [0], [0, 0, 1, 0], [], []>, transpose_lhs_hint = false} : vector<1024x128xbf16>, vector<128x128xbf16>, vector<1024x128xf32> -> vector<1024x128xf32>
    %slice3A_42 = vector.extract_strided_slice %add3A_18 {offsets = [0, 128], sizes = [1024, 128], strides = [1, 1]} : vector<1024x8192xf32> to vector<1024x128xf32>
    %add3A_43 = arith.addf %slice3A_42, %dot_general3A_32 : vector<1024x128xf32>
    %lt3A_44 = arith.cmpf olt, %add3A_43, %select_n3A : vector<1024x128xf32>
    %select_n3A_45 = arith.select %lt3A_44, %add3A_43, %select_n3A : vector<1024x128xi1>, vector<1024x128xf32>
    %jit3A_46 = arith.constant 1 : i32
    %broadcast_in_dim3A_47 = vector.broadcast %jit3A_46 : i32 to vector<1024x128xi32>
    %select_n3A_48 = arith.select %lt3A_44, %broadcast_in_dim3A_47, %select_n3A_36 : vector<1024x128xi1>, vector<1024x128xi32>
    %get3A_49 = arith.constant 384 : index
    %get3A_50 = arith.constant 0 : index
    %get3A_51 = vector.load %arg7[%get3A_49, %get3A_50] : memref<8192x128xbf16, #tpu.memory_space<vmem>>, vector<128x128xbf16>
    %dot_general3A_52 = arith.constant dense<0.000000e+00> : vector<1024x128xf32>
    %dot_general3A_53 = tpu.matmul %convert_element_type3A_19, %get3A_51, %dot_general3A_52 {dimension_numbers = #tpu.dot_dimension_numbers<[1], [1], [0], [0], [0, 0, 1, 0], [], []>, transpose_lhs_hint = false} : vector<1024x128xbf16>, vector<128x128xbf16>, vector<1024x128xf32> -> vector<1024x128xf32>
    %slice3A_54 = vector.extract_strided_slice %add3A_18 {offsets = [0, 256], sizes = [1024, 128], strides = [1, 1]} : vector<1024x8192xf32> to vector<1024x128xf32>
    %add3A_55 = arith.addf %slice3A_54, %dot_general3A_41 : vector<1024x128xf32>
    %lt3A_56 = arith.cmpf olt, %add3A_55, %select_n3A_45 : vector<1024x128xf32>
    %select_n3A_57 = arith.select %lt3A_56, %add3A_55, %select_n3A_45 : vector<1024x128xi1>, vector<1024x128xf32>
    %jit3A_58 = arith.constant 2 : i32
    %broadcast_in_dim3A_59 = vector.broadcast %jit3A_58 : i32 to vector<1024x128xi32>
    %select_n3A_60 = arith.select %lt3A_56, %broadcast_in_dim3A_59, %select_n3A_48 : vector<1024x128xi1>, vector<1024x128xi32>
    %get3A_61 = arith.constant 512 : index
    %get3A_62 = arith.constant 0 : index
    %get3A_63 = vector.load %arg7[%get3A_61, %get3A_62] : memref<8192x128xbf16, #tpu.memory_space<vmem>>, vector<128x128xbf16>
    %dot_general3A_64 = arith.constant dense<0.000000e+00> : vector<1024x128xf32>
    %dot_general3A_65 = tpu.matmul %convert_element_type3A_19, %get3A_63, %dot_general3A_64 {dimension_numbers = #tpu.dot_dimension_numbers<[1], [1], [0], [0], [0, 0, 1, 0], [], []>, transpose_lhs_hint = false} : vector<1024x128xbf16>, vector<128x128xbf16>, vector<1024x128xf32> -> vector<1024x128xf32>
    %slice3A_66 = vector.extract_strided_slice %add3A_18 {offsets = [0, 384], sizes = [1024, 128], strides = [1, 1]} : vector<1024x8192xf32> to vector<1024x128xf32>
    %add3A_67 = arith.addf %slice3A_66, %dot_general3A_53 : vector<1024x128xf32>
    %lt3A_68 = arith.cmpf olt, %add3A_67, %select_n3A_57 : vector<1024x128xf32>
    %select_n3A_69 = arith.select %lt3A_68, %add3A_67, %select_n3A_57 : vector<1024x128xi1>, vector<1024x128xf32>
    %jit3A_70 = arith.constant 3 : i32
    %broadcast_in_dim3A_71 = vector.broadcast %jit3A_70 : i32 to vector<1024x128xi32>
    %select_n3A_72 = arith.select %lt3A_68, %broadcast_in_dim3A_71, %select_n3A_60 : vector<1024x128xi1>, vector<1024x128xi32>
    %get3A_73 = arith.constant 640 : index
    %get3A_74 = arith.constant 0 : index
    %get3A_75 = vector.load %arg7[%get3A_73, %get3A_74] : memref<8192x128xbf16, #tpu.memory_space<vmem>>, vector<128x128xbf16>
    %dot_general3A_76 = arith.constant dense<0.000000e+00> : vector<1024x128xf32>
    %dot_general3A_77 = tpu.matmul %convert_element_type3A_19, %get3A_75, %dot_general3A_76 {dimension_numbers = #tpu.dot_dimension_numbers<[1], [1], [0], [0], [0, 0, 1, 0], [], []>, transpose_lhs_hint = false} : vector<1024x128xbf16>, vector<128x128xbf16>, vector<1024x128xf32> -> vector<1024x128xf32>
    %slice3A_78 = vector.extract_strided_slice %add3A_18 {offsets = [0, 512], sizes = [1024, 128], strides = [1, 1]} : vector<1024x8192xf32> to vector<1024x128xf32>
    %add3A_79 = arith.addf %slice3A_78, %dot_general3A_65 : vector<1024x128xf32>
    %lt3A_80 = arith.cmpf olt, %add3A_79, %select_n3A_69 : vector<1024x128xf32>
    %select_n3A_81 = arith.select %lt3A_80, %add3A_79, %select_n3A_69 : vector<1024x128xi1>, vector<1024x128xf32>
    %jit3A_82 = arith.constant 4 : i32
    %broadcast_in_dim3A_83 = vector.broadcast %jit3A_82 : i32 to vector<1024x128xi32>
    %select_n3A_84 = arith.select %lt3A_80, %broadcast_in_dim3A_83, %select_n3A_72 : vector<1024x128xi1>, vector<1024x128xi32>
    %get3A_85 = arith.constant 768 : index
    %get3A_86 = arith.constant 0 : index
    %get3A_87 = vector.load %arg7[%get3A_85, %get3A_86] : memref<8192x128xbf16, #tpu.memory_space<vmem>>, vector<128x128xbf16>
    %dot_general3A_88 = arith.constant dense<0.000000e+00> : vector<1024x128xf32>
    %dot_general3A_89 = tpu.matmul %convert_element_type3A_19, %get3A_87, %dot_general3A_88 {dimension_numbers = #tpu.dot_dimension_numbers<[1], [1], [0], [0], [0, 0, 1, 0], [], []>, transpose_lhs_hint = false} : vector<1024x128xbf16>, vector<128x128xbf16>, vector<1024x128xf32> -> vector<1024x128xf32>
    %slice3A_90 = vector.extract_strided_slice %add3A_18 {offsets = [0, 640], sizes = [1024, 128], strides = [1, 1]} : vector<1024x8192xf32> to vector<1024x128xf32>
    %add3A_91 = arith.addf %slice3A_90, %dot_general3A_77 : vector<1024x128xf32>
    %lt3A_92 = arith.cmpf olt, %add3A_91, %select_n3A_81 : vector<1024x128xf32>
    %select_n3A_93 = arith.select %lt3A_92, %add3A_91, %select_n3A_81 : vector<1024x128xi1>, vector<1024x128xf32>
    %jit3A_94 = arith.constant 5 : i32
    %broadcast_in_dim3A_95 = vector.broadcast %jit3A_94 : i32 to vector<1024x128xi32>
    %select_n3A_96 = arith.select %lt3A_92, %broadcast_in_dim3A_95, %select_n3A_84 : vector<1024x128xi1>, vector<1024x128xi32>
    %get3A_97 = arith.constant 896 : index
    %get3A_98 = arith.constant 0 : index
    %get3A_99 = vector.load %arg7[%get3A_97, %get3A_98] : memref<8192x128xbf16, #tpu.memory_space<vmem>>, vector<128x128xbf16>
    %dot_general3A_100 = arith.constant dense<0.000000e+00> : vector<1024x128xf32>
    %dot_general3A_101 = tpu.matmul %convert_element_type3A_19, %get3A_99, %dot_general3A_100 {dimension_numbers = #tpu.dot_dimension_numbers<[1], [1], [0], [0], [0, 0, 1, 0], [], []>, transpose_lhs_hint = false} : vector<1024x128xbf16>, vector<128x128xbf16>, vector<1024x128xf32> -> vector<1024x128xf32>
    %slice3A_102 = vector.extract_strided_slice %add3A_18 {offsets = [0, 768], sizes = [1024, 128], strides = [1, 1]} : vector<1024x8192xf32> to vector<1024x128xf32>
    %add3A_103 = arith.addf %slice3A_102, %dot_general3A_89 : vector<1024x128xf32>
    %lt3A_104 = arith.cmpf olt, %add3A_103, %select_n3A_93 : vector<1024x128xf32>
    %select_n3A_105 = arith.select %lt3A_104, %add3A_103, %select_n3A_93 : vector<1024x128xi1>, vector<1024x128xf32>
    %jit3A_106 = arith.constant 6 : i32
    %broadcast_in_dim3A_107 = vector.broadcast %jit3A_106 : i32 to vector<1024x128xi32>
    %select_n3A_108 = arith.select %lt3A_104, %broadcast_in_dim3A_107, %select_n3A_96 : vector<1024x128xi1>, vector<1024x128xi32>
    %get3A_109 = arith.constant 1024 : index
    %get3A_110 = arith.constant 0 : index
    %get3A_111 = vector.load %arg7[%get3A_109, %get3A_110] : memref<8192x128xbf16, #tpu.memory_space<vmem>>, vector<128x128xbf16>
    %dot_general3A_112 = arith.constant dense<0.000000e+00> : vector<1024x128xf32>
    %dot_general3A_113 = tpu.matmul %convert_element_type3A_19, %get3A_111, %dot_general3A_112 {dimension_numbers = #tpu.dot_dimension_numbers<[1], [1], [0], [0], [0, 0, 1, 0], [], []>, transpose_lhs_hint = false} : vector<1024x128xbf16>, vector<128x128xbf16>, vector<1024x128xf32> -> vector<1024x128xf32>
    %slice3A_114 = vector.extract_strided_slice %add3A_18 {offsets = [0, 896], sizes = [1024, 128], strides = [1, 1]} : vector<1024x8192xf32> to vector<1024x128xf32>
    %add3A_115 = arith.addf %slice3A_114, %dot_general3A_101 : vector<1024x128xf32>
    %lt3A_116 = arith.cmpf olt, %add3A_115, %select_n3A_105 : vector<1024x128xf32>
    %select_n3A_117 = arith.select %lt3A_116, %add3A_115, %select_n3A_105 : vector<1024x128xi1>, vector<1024x128xf32>
    %jit3A_118 = arith.constant 7 : i32
    %broadcast_in_dim3A_119 = vector.broadcast %jit3A_118 : i32 to vector<1024x128xi32>
    %select_n3A_120 = arith.select %lt3A_116, %broadcast_in_dim3A_119, %select_n3A_108 : vector<1024x128xi1>, vector<1024x128xi32>
    %get3A_121 = arith.constant 1152 : index
    %get3A_122 = arith.constant 0 : index
    %get3A_123 = vector.load %arg7[%get3A_121, %get3A_122] : memref<8192x128xbf16, #tpu.memory_space<vmem>>, vector<128x128xbf16>
    %dot_general3A_124 = arith.constant dense<0.000000e+00> : vector<1024x128xf32>
    %dot_general3A_125 = tpu.matmul %convert_element_type3A_19, %get3A_123, %dot_general3A_124 {dimension_numbers = #tpu.dot_dimension_numbers<[1], [1], [0], [0], [0, 0, 1, 0], [], []>, transpose_lhs_hint = false} : vector<1024x128xbf16>, vector<128x128xbf16>, vector<1024x128xf32> -> vector<1024x128xf32>
    %slice3A_126 = vector.extract_strided_slice %add3A_18 {offsets = [0, 1024], sizes = [1024, 128], strides = [1, 1]} : vector<1024x8192xf32> to vector<1024x128xf32>
    %add3A_127 = arith.addf %slice3A_126, %dot_general3A_113 : vector<1024x128xf32>
    %lt3A_128 = arith.cmpf olt, %add3A_127, %select_n3A_117 : vector<1024x128xf32>
    %select_n3A_129 = arith.select %lt3A_128, %add3A_127, %select_n3A_117 : vector<1024x128xi1>, vector<1024x128xf32>
    %jit3A_130 = arith.constant 8 : i32
    %broadcast_in_dim3A_131 = vector.broadcast %jit3A_130 : i32 to vector<1024x128xi32>
    %select_n3A_132 = arith.select %lt3A_128, %broadcast_in_dim3A_131, %select_n3A_120 : vector<1024x128xi1>, vector<1024x128xi32>
    %get3A_133 = arith.constant 1280 : index
    %get3A_134 = arith.constant 0 : index
    %get3A_135 = vector.load %arg7[%get3A_133, %get3A_134] : memref<8192x128xbf16, #tpu.memory_space<vmem>>, vector<128x128xbf16>
    %dot_general3A_136 = arith.constant dense<0.000000e+00> : vector<1024x128xf32>
    %dot_general3A_137 = tpu.matmul %convert_element_type3A_19, %get3A_135, %dot_general3A_136 {dimension_numbers = #tpu.dot_dimension_numbers<[1], [1], [0], [0], [0, 0, 1, 0], [], []>, transpose_lhs_hint = false} : vector<1024x128xbf16>, vector<128x128xbf16>, vector<1024x128xf32> -> vector<1024x128xf32>
    %slice3A_138 = vector.extract_strided_slice %add3A_18 {offsets = [0, 1152], sizes = [1024, 128], strides = [1, 1]} : vector<1024x8192xf32> to vector<1024x128xf32>
    %add3A_139 = arith.addf %slice3A_138, %dot_general3A_125 : vector<1024x128xf32>
    %lt3A_140 = arith.cmpf olt, %add3A_139, %select_n3A_129 : vector<1024x128xf32>
    %select_n3A_141 = arith.select %lt3A_140, %add3A_139, %select_n3A_129 : vector<1024x128xi1>, vector<1024x128xf32>
    %jit3A_142 = arith.constant 9 : i32
    %broadcast_in_dim3A_143 = vector.broadcast %jit3A_142 : i32 to vector<1024x128xi32>
    %select_n3A_144 = arith.select %lt3A_140, %broadcast_in_dim3A_143, %select_n3A_132 : vector<1024x128xi1>, vector<1024x128xi32>
    %get3A_145 = arith.constant 1408 : index
    %get3A_146 = arith.constant 0 : index
    %get3A_147 = vector.load %arg7[%get3A_145, %get3A_146] : memref<8192x128xbf16, #tpu.memory_space<vmem>>, vector<128x128xbf16>
    %dot_general3A_148 = arith.constant dense<0.000000e+00> : vector<1024x128xf32>
    %dot_general3A_149 = tpu.matmul %convert_element_type3A_19, %get3A_147, %dot_general3A_148 {dimension_numbers = #tpu.dot_dimension_numbers<[1], [1], [0], [0], [0, 0, 1, 0], [], []>, transpose_lhs_hint = false} : vector<1024x128xbf16>, vector<128x128xbf16>, vector<1024x128xf32> -> vector<1024x128xf32>
    %slice3A_150 = vector.extract_strided_slice %add3A_18 {offsets = [0, 1280], sizes = [1024, 128], strides = [1, 1]} : vector<1024x8192xf32> to vector<1024x128xf32>
    %add3A_151 = arith.addf %slice3A_150, %dot_general3A_137 : vector<1024x128xf32>
    %lt3A_152 = arith.cmpf olt, %add3A_151, %select_n3A_141 : vector<1024x128xf32>
    %select_n3A_153 = arith.select %lt3A_152, %add3A_151, %select_n3A_141 : vector<1024x128xi1>, vector<1024x128xf32>
    %jit3A_154 = arith.constant 10 : i32
    %broadcast_in_dim3A_155 = vector.broadcast %jit3A_154 : i32 to vector<1024x128xi32>
    %select_n3A_156 = arith.select %lt3A_152, %broadcast_in_dim3A_155, %select_n3A_144 : vector<1024x128xi1>, vector<1024x128xi32>
    %get3A_157 = arith.constant 1536 : index
    %get3A_158 = arith.constant 0 : index
    %get3A_159 = vector.load %arg7[%get3A_157, %get3A_158] : memref<8192x128xbf16, #tpu.memory_space<vmem>>, vector<128x128xbf16>
    %dot_general3A_160 = arith.constant dense<0.000000e+00> : vector<1024x128xf32>
    %dot_general3A_161 = tpu.matmul %convert_element_type3A_19, %get3A_159, %dot_general3A_160 {dimension_numbers = #tpu.dot_dimension_numbers<[1], [1], [0], [0], [0, 0, 1, 0], [], []>, transpose_lhs_hint = false} : vector<1024x128xbf16>, vector<128x128xbf16>, vector<1024x128xf32> -> vector<1024x128xf32>
    %slice3A_162 = vector.extract_strided_slice %add3A_18 {offsets = [0, 1408], sizes = [1024, 128], strides = [1, 1]} : vector<1024x8192xf32> to vector<1024x128xf32>
    %add3A_163 = arith.addf %slice3A_162, %dot_general3A_149 : vector<1024x128xf32>
    %lt3A_164 = arith.cmpf olt, %add3A_163, %select_n3A_153 : vector<1024x128xf32>
    %select_n3A_165 = arith.select %lt3A_164, %add3A_163, %select_n3A_153 : vector<1024x128xi1>, vector<1024x128xf32>
    %jit3A_166 = arith.constant 11 : i32
    %broadcast_in_dim3A_167 = vector.broadcast %jit3A_166 : i32 to vector<1024x128xi32>
    %select_n3A_168 = arith.select %lt3A_164, %broadcast_in_dim3A_167, %select_n3A_156 : vector<1024x128xi1>, vector<1024x128xi32>
    %get3A_169 = arith.constant 1664 : index
    %get3A_170 = arith.constant 0 : index
    %get3A_171 = vector.load %arg7[%get3A_169, %get3A_170] : memref<8192x128xbf16, #tpu.memory_space<vmem>>, vector<128x128xbf16>
    %dot_general3A_172 = arith.constant dense<0.000000e+00> : vector<1024x128xf32>
    %dot_general3A_173 = tpu.matmul %convert_element_type3A_19, %get3A_171, %dot_general3A_172 {dimension_numbers = #tpu.dot_dimension_numbers<[1], [1], [0], [0], [0, 0, 1, 0], [], []>, transpose_lhs_hint = false} : vector<1024x128xbf16>, vector<128x128xbf16>, vector<1024x128xf32> -> vector<1024x128xf32>
    %slice3A_174 = vector.extract_strided_slice %add3A_18 {offsets = [0, 1536], sizes = [1024, 128], strides = [1, 1]} : vector<1024x8192xf32> to vector<1024x128xf32>
    %add3A_175 = arith.addf %slice3A_174, %dot_general3A_161 : vector<1024x128xf32>
    %lt3A_176 = arith.cmpf olt, %add3A_175, %select_n3A_165 : vector<1024x128xf32>
    %select_n3A_177 = arith.select %lt3A_176, %add3A_175, %select_n3A_165 : vector<1024x128xi1>, vector<1024x128xf32>
    %jit3A_178 = arith.constant 12 : i32
    %broadcast_in_dim3A_179 = vector.broadcast %jit3A_178 : i32 to vector<1024x128xi32>
    %select_n3A_180 = arith.select %lt3A_176, %broadcast_in_dim3A_179, %select_n3A_168 : vector<1024x128xi1>, vector<1024x128xi32>
    %get3A_181 = arith.constant 1792 : index
    %get3A_182 = arith.constant 0 : index
    %get3A_183 = vector.load %arg7[%get3A_181, %get3A_182] : memref<8192x128xbf16, #tpu.memory_space<vmem>>, vector<128x128xbf16>
    %dot_general3A_184 = arith.constant dense<0.000000e+00> : vector<1024x128xf32>
    %dot_general3A_185 = tpu.matmul %convert_element_type3A_19, %get3A_183, %dot_general3A_184 {dimension_numbers = #tpu.dot_dimension_numbers<[1], [1], [0], [0], [0, 0, 1, 0], [], []>, transpose_lhs_hint = false} : vector<1024x128xbf16>, vector<128x128xbf16>, vector<1024x128xf32> -> vector<1024x128xf32>
    %slice3A_186 = vector.extract_strided_slice %add3A_18 {offsets = [0, 1664], sizes = [1024, 128], strides = [1, 1]} : vector<1024x8192xf32> to vector<1024x128xf32>
    %add3A_187 = arith.addf %slice3A_186, %dot_general3A_173 : vector<1024x128xf32>
    %lt3A_188 = arith.cmpf olt, %add3A_187, %select_n3A_177 : vector<1024x128xf32>
    %select_n3A_189 = arith.select %lt3A_188, %add3A_187, %select_n3A_177 : vector<1024x128xi1>, vector<1024x128xf32>
    %jit3A_190 = arith.constant 13 : i32
    %broadcast_in_dim3A_191 = vector.broadcast %jit3A_190 : i32 to vector<1024x128xi32>
    %select_n3A_192 = arith.select %lt3A_188, %broadcast_in_dim3A_191, %select_n3A_180 : vector<1024x128xi1>, vector<1024x128xi32>
    %get3A_193 = arith.constant 1920 : index
    %get3A_194 = arith.constant 0 : index
    %get3A_195 = vector.load %arg7[%get3A_193, %get3A_194] : memref<8192x128xbf16, #tpu.memory_space<vmem>>, vector<128x128xbf16>
    %dot_general3A_196 = arith.constant dense<0.000000e+00> : vector<1024x128xf32>
    %dot_general3A_197 = tpu.matmul %convert_element_type3A_19, %get3A_195, %dot_general3A_196 {dimension_numbers = #tpu.dot_dimension_numbers<[1], [1], [0], [0], [0, 0, 1, 0], [], []>, transpose_lhs_hint = false} : vector<1024x128xbf16>, vector<128x128xbf16>, vector<1024x128xf32> -> vector<1024x128xf32>
    %slice3A_198 = vector.extract_strided_slice %add3A_18 {offsets = [0, 1792], sizes = [1024, 128], strides = [1, 1]} : vector<1024x8192xf32> to vector<1024x128xf32>
    %add3A_199 = arith.addf %slice3A_198, %dot_general3A_185 : vector<1024x128xf32>
    %lt3A_200 = arith.cmpf olt, %add3A_199, %select_n3A_189 : vector<1024x128xf32>
    %select_n3A_201 = arith.select %lt3A_200, %add3A_199, %select_n3A_189 : vector<1024x128xi1>, vector<1024x128xf32>
    %jit3A_202 = arith.constant 14 : i32
    %broadcast_in_dim3A_203 = vector.broadcast %jit3A_202 : i32 to vector<1024x128xi32>
    %select_n3A_204 = arith.select %lt3A_200, %broadcast_in_dim3A_203, %select_n3A_192 : vector<1024x128xi1>, vector<1024x128xi32>
    %get3A_205 = arith.constant 2048 : index
    %get3A_206 = arith.constant 0 : index
    %get3A_207 = vector.load %arg7[%get3A_205, %get3A_206] : memref<8192x128xbf16, #tpu.memory_space<vmem>>, vector<128x128xbf16>
    %dot_general3A_208 = arith.constant dense<0.000000e+00> : vector<1024x128xf32>
    %dot_general3A_209 = tpu.matmul %convert_element_type3A_19, %get3A_207, %dot_general3A_208 {dimension_numbers = #tpu.dot_dimension_numbers<[1], [1], [0], [0], [0, 0, 1, 0], [], []>, transpose_lhs_hint = false} : vector<1024x128xbf16>, vector<128x128xbf16>, vector<1024x128xf32> -> vector<1024x128xf32>
    %slice3A_210 = vector.extract_strided_slice %add3A_18 {offsets = [0, 1920], sizes = [1024, 128], strides = [1, 1]} : vector<1024x8192xf32> to vector<1024x128xf32>
    %add3A_211 = arith.addf %slice3A_210, %dot_general3A_197 : vector<1024x128xf32>
    %lt3A_212 = arith.cmpf olt, %add3A_211, %select_n3A_201 : vector<1024x128xf32>
    %select_n3A_213 = arith.select %lt3A_212, %add3A_211, %select_n3A_201 : vector<1024x128xi1>, vector<1024x128xf32>
    %jit3A_214 = arith.constant 15 : i32
    %broadcast_in_dim3A_215 = vector.broadcast %jit3A_214 : i32 to vector<1024x128xi32>
    %select_n3A_216 = arith.select %lt3A_212, %broadcast_in_dim3A_215, %select_n3A_204 : vector<1024x128xi1>, vector<1024x128xi32>
    %get3A_217 = arith.constant 2176 : index
    %get3A_218 = arith.constant 0 : index
    %get3A_219 = vector.load %arg7[%get3A_217, %get3A_218] : memref<8192x128xbf16, #tpu.memory_space<vmem>>, vector<128x128xbf16>
    %dot_general3A_220 = arith.constant dense<0.000000e+00> : vector<1024x128xf32>
    %dot_general3A_221 = tpu.matmul %convert_element_type3A_19, %get3A_219, %dot_general3A_220 {dimension_numbers = #tpu.dot_dimension_numbers<[1], [1], [0], [0], [0, 0, 1, 0], [], []>, transpose_lhs_hint = false} : vector<1024x128xbf16>, vector<128x128xbf16>, vector<1024x128xf32> -> vector<1024x128xf32>
    %slice3A_222 = vector.extract_strided_slice %add3A_18 {offsets = [0, 2048], sizes = [1024, 128], strides = [1, 1]} : vector<1024x8192xf32> to vector<1024x128xf32>
    %add3A_223 = arith.addf %slice3A_222, %dot_general3A_209 : vector<1024x128xf32>
    %lt3A_224 = arith.cmpf olt, %add3A_223, %select_n3A_213 : vector<1024x128xf32>
    %select_n3A_225 = arith.select %lt3A_224, %add3A_223, %select_n3A_213 : vector<1024x128xi1>, vector<1024x128xf32>
    %jit3A_226 = arith.constant 16 : i32
    %broadcast_in_dim3A_227 = vector.broadcast %jit3A_226 : i32 to vector<1024x128xi32>
    %select_n3A_228 = arith.select %lt3A_224, %broadcast_in_dim3A_227, %select_n3A_216 : vector<1024x128xi1>, vector<1024x128xi32>
    %get3A_229 = arith.constant 2304 : index
    %get3A_230 = arith.constant 0 : index
    %get3A_231 = vector.load %arg7[%get3A_229, %get3A_230] : memref<8192x128xbf16, #tpu.memory_space<vmem>>, vector<128x128xbf16>
    %dot_general3A_232 = arith.constant dense<0.000000e+00> : vector<1024x128xf32>
    %dot_general3A_233 = tpu.matmul %convert_element_type3A_19, %get3A_231, %dot_general3A_232 {dimension_numbers = #tpu.dot_dimension_numbers<[1], [1], [0], [0], [0, 0, 1, 0], [], []>, transpose_lhs_hint = false} : vector<1024x128xbf16>, vector<128x128xbf16>, vector<1024x128xf32> -> vector<1024x128xf32>
    %slice3A_234 = vector.extract_strided_slice %add3A_18 {offsets = [0, 2176], sizes = [1024, 128], strides = [1, 1]} : vector<1024x8192xf32> to vector<1024x128xf32>
    %add3A_235 = arith.addf %slice3A_234, %dot_general3A_221 : vector<1024x128xf32>
    %lt3A_236 = arith.cmpf olt, %add3A_235, %select_n3A_225 : vector<1024x128xf32>
    %select_n3A_237 = arith.select %lt3A_236, %add3A_235, %select_n3A_225 : vector<1024x128xi1>, vector<1024x128xf32>
    %jit3A_238 = arith.constant 17 : i32
    %broadcast_in_dim3A_239 = vector.broadcast %jit3A_238 : i32 to vector<1024x128xi32>
    %select_n3A_240 = arith.select %lt3A_236, %broadcast_in_dim3A_239, %select_n3A_228 : vector<1024x128xi1>, vector<1024x128xi32>
    %get3A_241 = arith.constant 2432 : index
    %get3A_242 = arith.constant 0 : index
    %get3A_243 = vector.load %arg7[%get3A_241, %get3A_242] : memref<8192x128xbf16, #tpu.memory_space<vmem>>, vector<128x128xbf16>
    %dot_general3A_244 = arith.constant dense<0.000000e+00> : vector<1024x128xf32>
    %dot_general3A_245 = tpu.matmul %convert_element_type3A_19, %get3A_243, %dot_general3A_244 {dimension_numbers = #tpu.dot_dimension_numbers<[1], [1], [0], [0], [0, 0, 1, 0], [], []>, transpose_lhs_hint = false} : vector<1024x128xbf16>, vector<128x128xbf16>, vector<1024x128xf32> -> vector<1024x128xf32>
    %slice3A_246 = vector.extract_strided_slice %add3A_18 {offsets = [0, 2304], sizes = [1024, 128], strides = [1, 1]} : vector<1024x8192xf32> to vector<1024x128xf32>
    %add3A_247 = arith.addf %slice3A_246, %dot_general3A_233 : vector<1024x128xf32>
    %lt3A_248 = arith.cmpf olt, %add3A_247, %select_n3A_237 : vector<1024x128xf32>
    %select_n3A_249 = arith.select %lt3A_248, %add3A_247, %select_n3A_237 : vector<1024x128xi1>, vector<1024x128xf32>
    %jit3A_250 = arith.constant 18 : i32
    %broadcast_in_dim3A_251 = vector.broadcast %jit3A_250 : i32 to vector<1024x128xi32>
    %select_n3A_252 = arith.select %lt3A_248, %broadcast_in_dim3A_251, %select_n3A_240 : vector<1024x128xi1>, vector<1024x128xi32>
    %get3A_253 = arith.constant 2560 : index
    %get3A_254 = arith.constant 0 : index
    %get3A_255 = vector.load %arg7[%get3A_253, %get3A_254] : memref<8192x128xbf16, #tpu.memory_space<vmem>>, vector<128x128xbf16>
    %dot_general3A_256 = arith.constant dense<0.000000e+00> : vector<1024x128xf32>
    %dot_general3A_257 = tpu.matmul %convert_element_type3A_19, %get3A_255, %dot_general3A_256 {dimension_numbers = #tpu.dot_dimension_numbers<[1], [1], [0], [0], [0, 0, 1, 0], [], []>, transpose_lhs_hint = false} : vector<1024x128xbf16>, vector<128x128xbf16>, vector<1024x128xf32> -> vector<1024x128xf32>
    %slice3A_258 = vector.extract_strided_slice %add3A_18 {offsets = [0, 2432], sizes = [1024, 128], strides = [1, 1]} : vector<1024x8192xf32> to vector<1024x128xf32>
    %add3A_259 = arith.addf %slice3A_258, %dot_general3A_245 : vector<1024x128xf32>
    %lt3A_260 = arith.cmpf olt, %add3A_259, %select_n3A_249 : vector<1024x128xf32>
    %select_n3A_261 = arith.select %lt3A_260, %add3A_259, %select_n3A_249 : vector<1024x128xi1>, vector<1024x128xf32>
    %jit3A_262 = arith.constant 19 : i32
    %broadcast_in_dim3A_263 = vector.broadcast %jit3A_262 : i32 to vector<1024x128xi32>
    %select_n3A_264 = arith.select %lt3A_260, %broadcast_in_dim3A_263, %select_n3A_252 : vector<1024x128xi1>, vector<1024x128xi32>
    %get3A_265 = arith.constant 2688 : index
    %get3A_266 = arith.constant 0 : index
    %get3A_267 = vector.load %arg7[%get3A_265, %get3A_266] : memref<8192x128xbf16, #tpu.memory_space<vmem>>, vector<128x128xbf16>
    %dot_general3A_268 = arith.constant dense<0.000000e+00> : vector<1024x128xf32>
    %dot_general3A_269 = tpu.matmul %convert_element_type3A_19, %get3A_267, %dot_general3A_268 {dimension_numbers = #tpu.dot_dimension_numbers<[1], [1], [0], [0], [0, 0, 1, 0], [], []>, transpose_lhs_hint = false} : vector<1024x128xbf16>, vector<128x128xbf16>, vector<1024x128xf32> -> vector<1024x128xf32>
    %slice3A_270 = vector.extract_strided_slice %add3A_18 {offsets = [0, 2560], sizes = [1024, 128], strides = [1, 1]} : vector<1024x8192xf32> to vector<1024x128xf32>
    %add3A_271 = arith.addf %slice3A_270, %dot_general3A_257 : vector<1024x128xf32>
    %lt3A_272 = arith.cmpf olt, %add3A_271, %select_n3A_261 : vector<1024x128xf32>
    %select_n3A_273 = arith.select %lt3A_272, %add3A_271, %select_n3A_261 : vector<1024x128xi1>, vector<1024x128xf32>
    %jit3A_274 = arith.constant 20 : i32
    %broadcast_in_dim3A_275 = vector.broadcast %jit3A_274 : i32 to vector<1024x128xi32>
    %select_n3A_276 = arith.select %lt3A_272, %broadcast_in_dim3A_275, %select_n3A_264 : vector<1024x128xi1>, vector<1024x128xi32>
    %get3A_277 = arith.constant 2816 : index
    %get3A_278 = arith.constant 0 : index
    %get3A_279 = vector.load %arg7[%get3A_277, %get3A_278] : memref<8192x128xbf16, #tpu.memory_space<vmem>>, vector<128x128xbf16>
    %dot_general3A_280 = arith.constant dense<0.000000e+00> : vector<1024x128xf32>
    %dot_general3A_281 = tpu.matmul %convert_element_type3A_19, %get3A_279, %dot_general3A_280 {dimension_numbers = #tpu.dot_dimension_numbers<[1], [1], [0], [0], [0, 0, 1, 0], [], []>, transpose_lhs_hint = false} : vector<1024x128xbf16>, vector<128x128xbf16>, vector<1024x128xf32> -> vector<1024x128xf32>
    %slice3A_282 = vector.extract_strided_slice %add3A_18 {offsets = [0, 2688], sizes = [1024, 128], strides = [1, 1]} : vector<1024x8192xf32> to vector<1024x128xf32>
    %add3A_283 = arith.addf %slice3A_282, %dot_general3A_269 : vector<1024x128xf32>
    %lt3A_284 = arith.cmpf olt, %add3A_283, %select_n3A_273 : vector<1024x128xf32>
    %select_n3A_285 = arith.select %lt3A_284, %add3A_283, %select_n3A_273 : vector<1024x128xi1>, vector<1024x128xf32>
    %jit3A_286 = arith.constant 21 : i32
    %broadcast_in_dim3A_287 = vector.broadcast %jit3A_286 : i32 to vector<1024x128xi32>
    %select_n3A_288 = arith.select %lt3A_284, %broadcast_in_dim3A_287, %select_n3A_276 : vector<1024x128xi1>, vector<1024x128xi32>
    %get3A_289 = arith.constant 2944 : index
    %get3A_290 = arith.constant 0 : index
    %get3A_291 = vector.load %arg7[%get3A_289, %get3A_290] : memref<8192x128xbf16, #tpu.memory_space<vmem>>, vector<128x128xbf16>
    %dot_general3A_292 = arith.constant dense<0.000000e+00> : vector<1024x128xf32>
    %dot_general3A_293 = tpu.matmul %convert_element_type3A_19, %get3A_291, %dot_general3A_292 {dimension_numbers = #tpu.dot_dimension_numbers<[1], [1], [0], [0], [0, 0, 1, 0], [], []>, transpose_lhs_hint = false} : vector<1024x128xbf16>, vector<128x128xbf16>, vector<1024x128xf32> -> vector<1024x128xf32>
    %slice3A_294 = vector.extract_strided_slice %add3A_18 {offsets = [0, 2816], sizes = [1024, 128], strides = [1, 1]} : vector<1024x8192xf32> to vector<1024x128xf32>
    %add3A_295 = arith.addf %slice3A_294, %dot_general3A_281 : vector<1024x128xf32>
    %lt3A_296 = arith.cmpf olt, %add3A_295, %select_n3A_285 : vector<1024x128xf32>
    %select_n3A_297 = arith.select %lt3A_296, %add3A_295, %select_n3A_285 : vector<1024x128xi1>, vector<1024x128xf32>
    %jit3A_298 = arith.constant 22 : i32
    %broadcast_in_dim3A_299 = vector.broadcast %jit3A_298 : i32 to vector<1024x128xi32>
    %select_n3A_300 = arith.select %lt3A_296, %broadcast_in_dim3A_299, %select_n3A_288 : vector<1024x128xi1>, vector<1024x128xi32>
    %get3A_301 = arith.constant 3072 : index
    %get3A_302 = arith.constant 0 : index
    %get3A_303 = vector.load %arg7[%get3A_301, %get3A_302] : memref<8192x128xbf16, #tpu.memory_space<vmem>>, vector<128x128xbf16>
    %dot_general3A_304 = arith.constant dense<0.000000e+00> : vector<1024x128xf32>
    %dot_general3A_305 = tpu.matmul %convert_element_type3A_19, %get3A_303, %dot_general3A_304 {dimension_numbers = #tpu.dot_dimension_numbers<[1], [1], [0], [0], [0, 0, 1, 0], [], []>, transpose_lhs_hint = false} : vector<1024x128xbf16>, vector<128x128xbf16>, vector<1024x128xf32> -> vector<1024x128xf32>
    %slice3A_306 = vector.extract_strided_slice %add3A_18 {offsets = [0, 2944], sizes = [1024, 128], strides = [1, 1]} : vector<1024x8192xf32> to vector<1024x128xf32>
    %add3A_307 = arith.addf %slice3A_306, %dot_general3A_293 : vector<1024x128xf32>
    %lt3A_308 = arith.cmpf olt, %add3A_307, %select_n3A_297 : vector<1024x128xf32>
    %select_n3A_309 = arith.select %lt3A_308, %add3A_307, %select_n3A_297 : vector<1024x128xi1>, vector<1024x128xf32>
    %jit3A_310 = arith.constant 23 : i32
    %broadcast_in_dim3A_311 = vector.broadcast %jit3A_310 : i32 to vector<1024x128xi32>
    %select_n3A_312 = arith.select %lt3A_308, %broadcast_in_dim3A_311, %select_n3A_300 : vector<1024x128xi1>, vector<1024x128xi32>
    %get3A_313 = arith.constant 3200 : index
    %get3A_314 = arith.constant 0 : index
    %get3A_315 = vector.load %arg7[%get3A_313, %get3A_314] : memref<8192x128xbf16, #tpu.memory_space<vmem>>, vector<128x128xbf16>
    %dot_general3A_316 = arith.constant dense<0.000000e+00> : vector<1024x128xf32>
    %dot_general3A_317 = tpu.matmul %convert_element_type3A_19, %get3A_315, %dot_general3A_316 {dimension_numbers = #tpu.dot_dimension_numbers<[1], [1], [0], [0], [0, 0, 1, 0], [], []>, transpose_lhs_hint = false} : vector<1024x128xbf16>, vector<128x128xbf16>, vector<1024x128xf32> -> vector<1024x128xf32>
    %slice3A_318 = vector.extract_strided_slice %add3A_18 {offsets = [0, 3072], sizes = [1024, 128], strides = [1, 1]} : vector<1024x8192xf32> to vector<1024x128xf32>
    %add3A_319 = arith.addf %slice3A_318, %dot_general3A_305 : vector<1024x128xf32>
    %lt3A_320 = arith.cmpf olt, %add3A_319, %select_n3A_309 : vector<1024x128xf32>
    %select_n3A_321 = arith.select %lt3A_320, %add3A_319, %select_n3A_309 : vector<1024x128xi1>, vector<1024x128xf32>
    %jit3A_322 = arith.constant 24 : i32
    %broadcast_in_dim3A_323 = vector.broadcast %jit3A_322 : i32 to vector<1024x128xi32>
    %select_n3A_324 = arith.select %lt3A_320, %broadcast_in_dim3A_323, %select_n3A_312 : vector<1024x128xi1>, vector<1024x128xi32>
    %get3A_325 = arith.constant 3328 : index
    %get3A_326 = arith.constant 0 : index
    %get3A_327 = vector.load %arg7[%get3A_325, %get3A_326] : memref<8192x128xbf16, #tpu.memory_space<vmem>>, vector<128x128xbf16>
    %dot_general3A_328 = arith.constant dense<0.000000e+00> : vector<1024x128xf32>
    %dot_general3A_329 = tpu.matmul %convert_element_type3A_19, %get3A_327, %dot_general3A_328 {dimension_numbers = #tpu.dot_dimension_numbers<[1], [1], [0], [0], [0, 0, 1, 0], [], []>, transpose_lhs_hint = false} : vector<1024x128xbf16>, vector<128x128xbf16>, vector<1024x128xf32> -> vector<1024x128xf32>
    %slice3A_330 = vector.extract_strided_slice %add3A_18 {offsets = [0, 3200], sizes = [1024, 128], strides = [1, 1]} : vector<1024x8192xf32> to vector<1024x128xf32>
    %add3A_331 = arith.addf %slice3A_330, %dot_general3A_317 : vector<1024x128xf32>
    %lt3A_332 = arith.cmpf olt, %add3A_331, %select_n3A_321 : vector<1024x128xf32>
    %select_n3A_333 = arith.select %lt3A_332, %add3A_331, %select_n3A_321 : vector<1024x128xi1>, vector<1024x128xf32>
    %jit3A_334 = arith.constant 25 : i32
    %broadcast_in_dim3A_335 = vector.broadcast %jit3A_334 : i32 to vector<1024x128xi32>
    %select_n3A_336 = arith.select %lt3A_332, %broadcast_in_dim3A_335, %select_n3A_324 : vector<1024x128xi1>, vector<1024x128xi32>
    %get3A_337 = arith.constant 3456 : index
    %get3A_338 = arith.constant 0 : index
    %get3A_339 = vector.load %arg7[%get3A_337, %get3A_338] : memref<8192x128xbf16, #tpu.memory_space<vmem>>, vector<128x128xbf16>
    %dot_general3A_340 = arith.constant dense<0.000000e+00> : vector<1024x128xf32>
    %dot_general3A_341 = tpu.matmul %convert_element_type3A_19, %get3A_339, %dot_general3A_340 {dimension_numbers = #tpu.dot_dimension_numbers<[1], [1], [0], [0], [0, 0, 1, 0], [], []>, transpose_lhs_hint = false} : vector<1024x128xbf16>, vector<128x128xbf16>, vector<1024x128xf32> -> vector<1024x128xf32>
    %slice3A_342 = vector.extract_strided_slice %add3A_18 {offsets = [0, 3328], sizes = [1024, 128], strides = [1, 1]} : vector<1024x8192xf32> to vector<1024x128xf32>
    %add3A_343 = arith.addf %slice3A_342, %dot_general3A_329 : vector<1024x128xf32>
    %lt3A_344 = arith.cmpf olt, %add3A_343, %select_n3A_333 : vector<1024x128xf32>
    %select_n3A_345 = arith.select %lt3A_344, %add3A_343, %select_n3A_333 : vector<1024x128xi1>, vector<1024x128xf32>
    %jit3A_346 = arith.constant 26 : i32
    %broadcast_in_dim3A_347 = vector.broadcast %jit3A_346 : i32 to vector<1024x128xi32>
    %select_n3A_348 = arith.select %lt3A_344, %broadcast_in_dim3A_347, %select_n3A_336 : vector<1024x128xi1>, vector<1024x128xi32>
    %get3A_349 = arith.constant 3584 : index
    %get3A_350 = arith.constant 0 : index
    %get3A_351 = vector.load %arg7[%get3A_349, %get3A_350] : memref<8192x128xbf16, #tpu.memory_space<vmem>>, vector<128x128xbf16>
    %dot_general3A_352 = arith.constant dense<0.000000e+00> : vector<1024x128xf32>
    %dot_general3A_353 = tpu.matmul %convert_element_type3A_19, %get3A_351, %dot_general3A_352 {dimension_numbers = #tpu.dot_dimension_numbers<[1], [1], [0], [0], [0, 0, 1, 0], [], []>, transpose_lhs_hint = false} : vector<1024x128xbf16>, vector<128x128xbf16>, vector<1024x128xf32> -> vector<1024x128xf32>
    %slice3A_354 = vector.extract_strided_slice %add3A_18 {offsets = [0, 3456], sizes = [1024, 128], strides = [1, 1]} : vector<1024x8192xf32> to vector<1024x128xf32>
    %add3A_355 = arith.addf %slice3A_354, %dot_general3A_341 : vector<1024x128xf32>
    %lt3A_356 = arith.cmpf olt, %add3A_355, %select_n3A_345 : vector<1024x128xf32>
    %select_n3A_357 = arith.select %lt3A_356, %add3A_355, %select_n3A_345 : vector<1024x128xi1>, vector<1024x128xf32>
    %jit3A_358 = arith.constant 27 : i32
    %broadcast_in_dim3A_359 = vector.broadcast %jit3A_358 : i32 to vector<1024x128xi32>
    %select_n3A_360 = arith.select %lt3A_356, %broadcast_in_dim3A_359, %select_n3A_348 : vector<1024x128xi1>, vector<1024x128xi32>
    %get3A_361 = arith.constant 3712 : index
    %get3A_362 = arith.constant 0 : index
    %get3A_363 = vector.load %arg7[%get3A_361, %get3A_362] : memref<8192x128xbf16, #tpu.memory_space<vmem>>, vector<128x128xbf16>
    %dot_general3A_364 = arith.constant dense<0.000000e+00> : vector<1024x128xf32>
    %dot_general3A_365 = tpu.matmul %convert_element_type3A_19, %get3A_363, %dot_general3A_364 {dimension_numbers = #tpu.dot_dimension_numbers<[1], [1], [0], [0], [0, 0, 1, 0], [], []>, transpose_lhs_hint = false} : vector<1024x128xbf16>, vector<128x128xbf16>, vector<1024x128xf32> -> vector<1024x128xf32>
    %slice3A_366 = vector.extract_strided_slice %add3A_18 {offsets = [0, 3584], sizes = [1024, 128], strides = [1, 1]} : vector<1024x8192xf32> to vector<1024x128xf32>
    %add3A_367 = arith.addf %slice3A_366, %dot_general3A_353 : vector<1024x128xf32>
    %lt3A_368 = arith.cmpf olt, %add3A_367, %select_n3A_357 : vector<1024x128xf32>
    %select_n3A_369 = arith.select %lt3A_368, %add3A_367, %select_n3A_357 : vector<1024x128xi1>, vector<1024x128xf32>
    %jit3A_370 = arith.constant 28 : i32
    %broadcast_in_dim3A_371 = vector.broadcast %jit3A_370 : i32 to vector<1024x128xi32>
    %select_n3A_372 = arith.select %lt3A_368, %broadcast_in_dim3A_371, %select_n3A_360 : vector<1024x128xi1>, vector<1024x128xi32>
    %get3A_373 = arith.constant 3840 : index
    %get3A_374 = arith.constant 0 : index
    %get3A_375 = vector.load %arg7[%get3A_373, %get3A_374] : memref<8192x128xbf16, #tpu.memory_space<vmem>>, vector<128x128xbf16>
    %dot_general3A_376 = arith.constant dense<0.000000e+00> : vector<1024x128xf32>
    %dot_general3A_377 = tpu.matmul %convert_element_type3A_19, %get3A_375, %dot_general3A_376 {dimension_numbers = #tpu.dot_dimension_numbers<[1], [1], [0], [0], [0, 0, 1, 0], [], []>, transpose_lhs_hint = false} : vector<1024x128xbf16>, vector<128x128xbf16>, vector<1024x128xf32> -> vector<1024x128xf32>
    %slice3A_378 = vector.extract_strided_slice %add3A_18 {offsets = [0, 3712], sizes = [1024, 128], strides = [1, 1]} : vector<1024x8192xf32> to vector<1024x128xf32>
    %add3A_379 = arith.addf %slice3A_378, %dot_general3A_365 : vector<1024x128xf32>
    %lt3A_380 = arith.cmpf olt, %add3A_379, %select_n3A_369 : vector<1024x128xf32>
    %select_n3A_381 = arith.select %lt3A_380, %add3A_379, %select_n3A_369 : vector<1024x128xi1>, vector<1024x128xf32>
    %jit3A_382 = arith.constant 29 : i32
    %broadcast_in_dim3A_383 = vector.broadcast %jit3A_382 : i32 to vector<1024x128xi32>
    %select_n3A_384 = arith.select %lt3A_380, %broadcast_in_dim3A_383, %select_n3A_372 : vector<1024x128xi1>, vector<1024x128xi32>
    %get3A_385 = arith.constant 3968 : index
    %get3A_386 = arith.constant 0 : index
    %get3A_387 = vector.load %arg7[%get3A_385, %get3A_386] : memref<8192x128xbf16, #tpu.memory_space<vmem>>, vector<128x128xbf16>
    %dot_general3A_388 = arith.constant dense<0.000000e+00> : vector<1024x128xf32>
    %dot_general3A_389 = tpu.matmul %convert_element_type3A_19, %get3A_387, %dot_general3A_388 {dimension_numbers = #tpu.dot_dimension_numbers<[1], [1], [0], [0], [0, 0, 1, 0], [], []>, transpose_lhs_hint = false} : vector<1024x128xbf16>, vector<128x128xbf16>, vector<1024x128xf32> -> vector<1024x128xf32>
    %slice3A_390 = vector.extract_strided_slice %add3A_18 {offsets = [0, 3840], sizes = [1024, 128], strides = [1, 1]} : vector<1024x8192xf32> to vector<1024x128xf32>
    %add3A_391 = arith.addf %slice3A_390, %dot_general3A_377 : vector<1024x128xf32>
    %lt3A_392 = arith.cmpf olt, %add3A_391, %select_n3A_381 : vector<1024x128xf32>
    %select_n3A_393 = arith.select %lt3A_392, %add3A_391, %select_n3A_381 : vector<1024x128xi1>, vector<1024x128xf32>
    %jit3A_394 = arith.constant 30 : i32
    %broadcast_in_dim3A_395 = vector.broadcast %jit3A_394 : i32 to vector<1024x128xi32>
    %select_n3A_396 = arith.select %lt3A_392, %broadcast_in_dim3A_395, %select_n3A_384 : vector<1024x128xi1>, vector<1024x128xi32>
    %get3A_397 = arith.constant 4096 : index
    %get3A_398 = arith.constant 0 : index
    %get3A_399 = vector.load %arg7[%get3A_397, %get3A_398] : memref<8192x128xbf16, #tpu.memory_space<vmem>>, vector<128x128xbf16>
    %dot_general3A_400 = arith.constant dense<0.000000e+00> : vector<1024x128xf32>
    %dot_general3A_401 = tpu.matmul %convert_element_type3A_19, %get3A_399, %dot_general3A_400 {dimension_numbers = #tpu.dot_dimension_numbers<[1], [1], [0], [0], [0, 0, 1, 0], [], []>, transpose_lhs_hint = false} : vector<1024x128xbf16>, vector<128x128xbf16>, vector<1024x128xf32> -> vector<1024x128xf32>
    %slice3A_402 = vector.extract_strided_slice %add3A_18 {offsets = [0, 3968], sizes = [1024, 128], strides = [1, 1]} : vector<1024x8192xf32> to vector<1024x128xf32>
    %add3A_403 = arith.addf %slice3A_402, %dot_general3A_389 : vector<1024x128xf32>
    %lt3A_404 = arith.cmpf olt, %add3A_403, %select_n3A_393 : vector<1024x128xf32>
    %select_n3A_405 = arith.select %lt3A_404, %add3A_403, %select_n3A_393 : vector<1024x128xi1>, vector<1024x128xf32>
    %jit3A_406 = arith.constant 31 : i32
    %broadcast_in_dim3A_407 = vector.broadcast %jit3A_406 : i32 to vector<1024x128xi32>
    %select_n3A_408 = arith.select %lt3A_404, %broadcast_in_dim3A_407, %select_n3A_396 : vector<1024x128xi1>, vector<1024x128xi32>
    %get3A_409 = arith.constant 4224 : index
    %get3A_410 = arith.constant 0 : index
    %get3A_411 = vector.load %arg7[%get3A_409, %get3A_410] : memref<8192x128xbf16, #tpu.memory_space<vmem>>, vector<128x128xbf16>
    %dot_general3A_412 = arith.constant dense<0.000000e+00> : vector<1024x128xf32>
    %dot_general3A_413 = tpu.matmul %convert_element_type3A_19, %get3A_411, %dot_general3A_412 {dimension_numbers = #tpu.dot_dimension_numbers<[1], [1], [0], [0], [0, 0, 1, 0], [], []>, transpose_lhs_hint = false} : vector<1024x128xbf16>, vector<128x128xbf16>, vector<1024x128xf32> -> vector<1024x128xf32>
    %slice3A_414 = vector.extract_strided_slice %add3A_18 {offsets = [0, 4096], sizes = [1024, 128], strides = [1, 1]} : vector<1024x8192xf32> to vector<1024x128xf32>
    %add3A_415 = arith.addf %slice3A_414, %dot_general3A_401 : vector<1024x128xf32>
    %lt3A_416 = arith.cmpf olt, %add3A_415, %select_n3A_405 : vector<1024x128xf32>
    %select_n3A_417 = arith.select %lt3A_416, %add3A_415, %select_n3A_405 : vector<1024x128xi1>, vector<1024x128xf32>
    %jit3A_418 = arith.constant 32 : i32
    %broadcast_in_dim3A_419 = vector.broadcast %jit3A_418 : i32 to vector<1024x128xi32>
    %select_n3A_420 = arith.select %lt3A_416, %broadcast_in_dim3A_419, %select_n3A_408 : vector<1024x128xi1>, vector<1024x128xi32>
    %get3A_421 = arith.constant 4352 : index
    %get3A_422 = arith.constant 0 : index
    %get3A_423 = vector.load %arg7[%get3A_421, %get3A_422] : memref<8192x128xbf16, #tpu.memory_space<vmem>>, vector<128x128xbf16>
    %dot_general3A_424 = arith.constant dense<0.000000e+00> : vector<1024x128xf32>
    %dot_general3A_425 = tpu.matmul %convert_element_type3A_19, %get3A_423, %dot_general3A_424 {dimension_numbers = #tpu.dot_dimension_numbers<[1], [1], [0], [0], [0, 0, 1, 0], [], []>, transpose_lhs_hint = false} : vector<1024x128xbf16>, vector<128x128xbf16>, vector<1024x128xf32> -> vector<1024x128xf32>
    %slice3A_426 = vector.extract_strided_slice %add3A_18 {offsets = [0, 4224], sizes = [1024, 128], strides = [1, 1]} : vector<1024x8192xf32> to vector<1024x128xf32>
    %add3A_427 = arith.addf %slice3A_426, %dot_general3A_413 : vector<1024x128xf32>
    %lt3A_428 = arith.cmpf olt, %add3A_427, %select_n3A_417 : vector<1024x128xf32>
    %select_n3A_429 = arith.select %lt3A_428, %add3A_427, %select_n3A_417 : vector<1024x128xi1>, vector<1024x128xf32>
    %jit3A_430 = arith.constant 33 : i32
    %broadcast_in_dim3A_431 = vector.broadcast %jit3A_430 : i32 to vector<1024x128xi32>
    %select_n3A_432 = arith.select %lt3A_428, %broadcast_in_dim3A_431, %select_n3A_420 : vector<1024x128xi1>, vector<1024x128xi32>
    %get3A_433 = arith.constant 4480 : index
    %get3A_434 = arith.constant 0 : index
    %get3A_435 = vector.load %arg7[%get3A_433, %get3A_434] : memref<8192x128xbf16, #tpu.memory_space<vmem>>, vector<128x128xbf16>
    %dot_general3A_436 = arith.constant dense<0.000000e+00> : vector<1024x128xf32>
    %dot_general3A_437 = tpu.matmul %convert_element_type3A_19, %get3A_435, %dot_general3A_436 {dimension_numbers = #tpu.dot_dimension_numbers<[1], [1], [0], [0], [0, 0, 1, 0], [], []>, transpose_lhs_hint = false} : vector<1024x128xbf16>, vector<128x128xbf16>, vector<1024x128xf32> -> vector<1024x128xf32>
    %slice3A_438 = vector.extract_strided_slice %add3A_18 {offsets = [0, 4352], sizes = [1024, 128], strides = [1, 1]} : vector<1024x8192xf32> to vector<1024x128xf32>
    %add3A_439 = arith.addf %slice3A_438, %dot_general3A_425 : vector<1024x128xf32>
    %lt3A_440 = arith.cmpf olt, %add3A_439, %select_n3A_429 : vector<1024x128xf32>
    %select_n3A_441 = arith.select %lt3A_440, %add3A_439, %select_n3A_429 : vector<1024x128xi1>, vector<1024x128xf32>
    %jit3A_442 = arith.constant 34 : i32
    %broadcast_in_dim3A_443 = vector.broadcast %jit3A_442 : i32 to vector<1024x128xi32>
    %select_n3A_444 = arith.select %lt3A_440, %broadcast_in_dim3A_443, %select_n3A_432 : vector<1024x128xi1>, vector<1024x128xi32>
    %get3A_445 = arith.constant 4608 : index
    %get3A_446 = arith.constant 0 : index
    %get3A_447 = vector.load %arg7[%get3A_445, %get3A_446] : memref<8192x128xbf16, #tpu.memory_space<vmem>>, vector<128x128xbf16>
    %dot_general3A_448 = arith.constant dense<0.000000e+00> : vector<1024x128xf32>
    %dot_general3A_449 = tpu.matmul %convert_element_type3A_19, %get3A_447, %dot_general3A_448 {dimension_numbers = #tpu.dot_dimension_numbers<[1], [1], [0], [0], [0, 0, 1, 0], [], []>, transpose_lhs_hint = false} : vector<1024x128xbf16>, vector<128x128xbf16>, vector<1024x128xf32> -> vector<1024x128xf32>
    %slice3A_450 = vector.extract_strided_slice %add3A_18 {offsets = [0, 4480], sizes = [1024, 128], strides = [1, 1]} : vector<1024x8192xf32> to vector<1024x128xf32>
    %add3A_451 = arith.addf %slice3A_450, %dot_general3A_437 : vector<1024x128xf32>
    %lt3A_452 = arith.cmpf olt, %add3A_451, %select_n3A_441 : vector<1024x128xf32>
    %select_n3A_453 = arith.select %lt3A_452, %add3A_451, %select_n3A_441 : vector<1024x128xi1>, vector<1024x128xf32>
    %jit3A_454 = arith.constant 35 : i32
    %broadcast_in_dim3A_455 = vector.broadcast %jit3A_454 : i32 to vector<1024x128xi32>
    %select_n3A_456 = arith.select %lt3A_452, %broadcast_in_dim3A_455, %select_n3A_444 : vector<1024x128xi1>, vector<1024x128xi32>
    %get3A_457 = arith.constant 4736 : index
    %get3A_458 = arith.constant 0 : index
    %get3A_459 = vector.load %arg7[%get3A_457, %get3A_458] : memref<8192x128xbf16, #tpu.memory_space<vmem>>, vector<128x128xbf16>
    %dot_general3A_460 = arith.constant dense<0.000000e+00> : vector<1024x128xf32>
    %dot_general3A_461 = tpu.matmul %convert_element_type3A_19, %get3A_459, %dot_general3A_460 {dimension_numbers = #tpu.dot_dimension_numbers<[1], [1], [0], [0], [0, 0, 1, 0], [], []>, transpose_lhs_hint = false} : vector<1024x128xbf16>, vector<128x128xbf16>, vector<1024x128xf32> -> vector<1024x128xf32>
    %slice3A_462 = vector.extract_strided_slice %add3A_18 {offsets = [0, 4608], sizes = [1024, 128], strides = [1, 1]} : vector<1024x8192xf32> to vector<1024x128xf32>
    %add3A_463 = arith.addf %slice3A_462, %dot_general3A_449 : vector<1024x128xf32>
    %lt3A_464 = arith.cmpf olt, %add3A_463, %select_n3A_453 : vector<1024x128xf32>
    %select_n3A_465 = arith.select %lt3A_464, %add3A_463, %select_n3A_453 : vector<1024x128xi1>, vector<1024x128xf32>
    %jit3A_466 = arith.constant 36 : i32
    %broadcast_in_dim3A_467 = vector.broadcast %jit3A_466 : i32 to vector<1024x128xi32>
    %select_n3A_468 = arith.select %lt3A_464, %broadcast_in_dim3A_467, %select_n3A_456 : vector<1024x128xi1>, vector<1024x128xi32>
    %get3A_469 = arith.constant 4864 : index
    %get3A_470 = arith.constant 0 : index
    %get3A_471 = vector.load %arg7[%get3A_469, %get3A_470] : memref<8192x128xbf16, #tpu.memory_space<vmem>>, vector<128x128xbf16>
    %dot_general3A_472 = arith.constant dense<0.000000e+00> : vector<1024x128xf32>
    %dot_general3A_473 = tpu.matmul %convert_element_type3A_19, %get3A_471, %dot_general3A_472 {dimension_numbers = #tpu.dot_dimension_numbers<[1], [1], [0], [0], [0, 0, 1, 0], [], []>, transpose_lhs_hint = false} : vector<1024x128xbf16>, vector<128x128xbf16>, vector<1024x128xf32> -> vector<1024x128xf32>
    %slice3A_474 = vector.extract_strided_slice %add3A_18 {offsets = [0, 4736], sizes = [1024, 128], strides = [1, 1]} : vector<1024x8192xf32> to vector<1024x128xf32>
    %add3A_475 = arith.addf %slice3A_474, %dot_general3A_461 : vector<1024x128xf32>
    %lt3A_476 = arith.cmpf olt, %add3A_475, %select_n3A_465 : vector<1024x128xf32>
    %select_n3A_477 = arith.select %lt3A_476, %add3A_475, %select_n3A_465 : vector<1024x128xi1>, vector<1024x128xf32>
    %jit3A_478 = arith.constant 37 : i32
    %broadcast_in_dim3A_479 = vector.broadcast %jit3A_478 : i32 to vector<1024x128xi32>
    %select_n3A_480 = arith.select %lt3A_476, %broadcast_in_dim3A_479, %select_n3A_468 : vector<1024x128xi1>, vector<1024x128xi32>
    %get3A_481 = arith.constant 4992 : index
    %get3A_482 = arith.constant 0 : index
    %get3A_483 = vector.load %arg7[%get3A_481, %get3A_482] : memref<8192x128xbf16, #tpu.memory_space<vmem>>, vector<128x128xbf16>
    %dot_general3A_484 = arith.constant dense<0.000000e+00> : vector<1024x128xf32>
    %dot_general3A_485 = tpu.matmul %convert_element_type3A_19, %get3A_483, %dot_general3A_484 {dimension_numbers = #tpu.dot_dimension_numbers<[1], [1], [0], [0], [0, 0, 1, 0], [], []>, transpose_lhs_hint = false} : vector<1024x128xbf16>, vector<128x128xbf16>, vector<1024x128xf32> -> vector<1024x128xf32>
    %slice3A_486 = vector.extract_strided_slice %add3A_18 {offsets = [0, 4864], sizes = [1024, 128], strides = [1, 1]} : vector<1024x8192xf32> to vector<1024x128xf32>
    %add3A_487 = arith.addf %slice3A_486, %dot_general3A_473 : vector<1024x128xf32>
    %lt3A_488 = arith.cmpf olt, %add3A_487, %select_n3A_477 : vector<1024x128xf32>
    %select_n3A_489 = arith.select %lt3A_488, %add3A_487, %select_n3A_477 : vector<1024x128xi1>, vector<1024x128xf32>
    %jit3A_490 = arith.constant 38 : i32
    %broadcast_in_dim3A_491 = vector.broadcast %jit3A_490 : i32 to vector<1024x128xi32>
    %select_n3A_492 = arith.select %lt3A_488, %broadcast_in_dim3A_491, %select_n3A_480 : vector<1024x128xi1>, vector<1024x128xi32>
    %get3A_493 = arith.constant 5120 : index
    %get3A_494 = arith.constant 0 : index
    %get3A_495 = vector.load %arg7[%get3A_493, %get3A_494] : memref<8192x128xbf16, #tpu.memory_space<vmem>>, vector<128x128xbf16>
    %dot_general3A_496 = arith.constant dense<0.000000e+00> : vector<1024x128xf32>
    %dot_general3A_497 = tpu.matmul %convert_element_type3A_19, %get3A_495, %dot_general3A_496 {dimension_numbers = #tpu.dot_dimension_numbers<[1], [1], [0], [0], [0, 0, 1, 0], [], []>, transpose_lhs_hint = false} : vector<1024x128xbf16>, vector<128x128xbf16>, vector<1024x128xf32> -> vector<1024x128xf32>
    %slice3A_498 = vector.extract_strided_slice %add3A_18 {offsets = [0, 4992], sizes = [1024, 128], strides = [1, 1]} : vector<1024x8192xf32> to vector<1024x128xf32>
    %add3A_499 = arith.addf %slice3A_498, %dot_general3A_485 : vector<1024x128xf32>
    %lt3A_500 = arith.cmpf olt, %add3A_499, %select_n3A_489 : vector<1024x128xf32>
    %select_n3A_501 = arith.select %lt3A_500, %add3A_499, %select_n3A_489 : vector<1024x128xi1>, vector<1024x128xf32>
    %jit3A_502 = arith.constant 39 : i32
    %broadcast_in_dim3A_503 = vector.broadcast %jit3A_502 : i32 to vector<1024x128xi32>
    %select_n3A_504 = arith.select %lt3A_500, %broadcast_in_dim3A_503, %select_n3A_492 : vector<1024x128xi1>, vector<1024x128xi32>
    %get3A_505 = arith.constant 5248 : index
    %get3A_506 = arith.constant 0 : index
    %get3A_507 = vector.load %arg7[%get3A_505, %get3A_506] : memref<8192x128xbf16, #tpu.memory_space<vmem>>, vector<128x128xbf16>
    %dot_general3A_508 = arith.constant dense<0.000000e+00> : vector<1024x128xf32>
    %dot_general3A_509 = tpu.matmul %convert_element_type3A_19, %get3A_507, %dot_general3A_508 {dimension_numbers = #tpu.dot_dimension_numbers<[1], [1], [0], [0], [0, 0, 1, 0], [], []>, transpose_lhs_hint = false} : vector<1024x128xbf16>, vector<128x128xbf16>, vector<1024x128xf32> -> vector<1024x128xf32>
    %slice3A_510 = vector.extract_strided_slice %add3A_18 {offsets = [0, 5120], sizes = [1024, 128], strides = [1, 1]} : vector<1024x8192xf32> to vector<1024x128xf32>
    %add3A_511 = arith.addf %slice3A_510, %dot_general3A_497 : vector<1024x128xf32>
    %lt3A_512 = arith.cmpf olt, %add3A_511, %select_n3A_501 : vector<1024x128xf32>
    %select_n3A_513 = arith.select %lt3A_512, %add3A_511, %select_n3A_501 : vector<1024x128xi1>, vector<1024x128xf32>
    %jit3A_514 = arith.constant 40 : i32
    %broadcast_in_dim3A_515 = vector.broadcast %jit3A_514 : i32 to vector<1024x128xi32>
    %select_n3A_516 = arith.select %lt3A_512, %broadcast_in_dim3A_515, %select_n3A_504 : vector<1024x128xi1>, vector<1024x128xi32>
    %get3A_517 = arith.constant 5376 : index
    %get3A_518 = arith.constant 0 : index
    %get3A_519 = vector.load %arg7[%get3A_517, %get3A_518] : memref<8192x128xbf16, #tpu.memory_space<vmem>>, vector<128x128xbf16>
    %dot_general3A_520 = arith.constant dense<0.000000e+00> : vector<1024x128xf32>
    %dot_general3A_521 = tpu.matmul %convert_element_type3A_19, %get3A_519, %dot_general3A_520 {dimension_numbers = #tpu.dot_dimension_numbers<[1], [1], [0], [0], [0, 0, 1, 0], [], []>, transpose_lhs_hint = false} : vector<1024x128xbf16>, vector<128x128xbf16>, vector<1024x128xf32> -> vector<1024x128xf32>
    %slice3A_522 = vector.extract_strided_slice %add3A_18 {offsets = [0, 5248], sizes = [1024, 128], strides = [1, 1]} : vector<1024x8192xf32> to vector<1024x128xf32>
    %add3A_523 = arith.addf %slice3A_522, %dot_general3A_509 : vector<1024x128xf32>
    %lt3A_524 = arith.cmpf olt, %add3A_523, %select_n3A_513 : vector<1024x128xf32>
    %select_n3A_525 = arith.select %lt3A_524, %add3A_523, %select_n3A_513 : vector<1024x128xi1>, vector<1024x128xf32>
    %jit3A_526 = arith.constant 41 : i32
    %broadcast_in_dim3A_527 = vector.broadcast %jit3A_526 : i32 to vector<1024x128xi32>
    %select_n3A_528 = arith.select %lt3A_524, %broadcast_in_dim3A_527, %select_n3A_516 : vector<1024x128xi1>, vector<1024x128xi32>
    %get3A_529 = arith.constant 5504 : index
    %get3A_530 = arith.constant 0 : index
    %get3A_531 = vector.load %arg7[%get3A_529, %get3A_530] : memref<8192x128xbf16, #tpu.memory_space<vmem>>, vector<128x128xbf16>
    %dot_general3A_532 = arith.constant dense<0.000000e+00> : vector<1024x128xf32>
    %dot_general3A_533 = tpu.matmul %convert_element_type3A_19, %get3A_531, %dot_general3A_532 {dimension_numbers = #tpu.dot_dimension_numbers<[1], [1], [0], [0], [0, 0, 1, 0], [], []>, transpose_lhs_hint = false} : vector<1024x128xbf16>, vector<128x128xbf16>, vector<1024x128xf32> -> vector<1024x128xf32>
    %slice3A_534 = vector.extract_strided_slice %add3A_18 {offsets = [0, 5376], sizes = [1024, 128], strides = [1, 1]} : vector<1024x8192xf32> to vector<1024x128xf32>
    %add3A_535 = arith.addf %slice3A_534, %dot_general3A_521 : vector<1024x128xf32>
    %lt3A_536 = arith.cmpf olt, %add3A_535, %select_n3A_525 : vector<1024x128xf32>
    %select_n3A_537 = arith.select %lt3A_536, %add3A_535, %select_n3A_525 : vector<1024x128xi1>, vector<1024x128xf32>
    %jit3A_538 = arith.constant 42 : i32
    %broadcast_in_dim3A_539 = vector.broadcast %jit3A_538 : i32 to vector<1024x128xi32>
    %select_n3A_540 = arith.select %lt3A_536, %broadcast_in_dim3A_539, %select_n3A_528 : vector<1024x128xi1>, vector<1024x128xi32>
    %get3A_541 = arith.constant 5632 : index
    %get3A_542 = arith.constant 0 : index
    %get3A_543 = vector.load %arg7[%get3A_541, %get3A_542] : memref<8192x128xbf16, #tpu.memory_space<vmem>>, vector<128x128xbf16>
    %dot_general3A_544 = arith.constant dense<0.000000e+00> : vector<1024x128xf32>
    %dot_general3A_545 = tpu.matmul %convert_element_type3A_19, %get3A_543, %dot_general3A_544 {dimension_numbers = #tpu.dot_dimension_numbers<[1], [1], [0], [0], [0, 0, 1, 0], [], []>, transpose_lhs_hint = false} : vector<1024x128xbf16>, vector<128x128xbf16>, vector<1024x128xf32> -> vector<1024x128xf32>
    %slice3A_546 = vector.extract_strided_slice %add3A_18 {offsets = [0, 5504], sizes = [1024, 128], strides = [1, 1]} : vector<1024x8192xf32> to vector<1024x128xf32>
    %add3A_547 = arith.addf %slice3A_546, %dot_general3A_533 : vector<1024x128xf32>
    %lt3A_548 = arith.cmpf olt, %add3A_547, %select_n3A_537 : vector<1024x128xf32>
    %select_n3A_549 = arith.select %lt3A_548, %add3A_547, %select_n3A_537 : vector<1024x128xi1>, vector<1024x128xf32>
    %jit3A_550 = arith.constant 43 : i32
    %broadcast_in_dim3A_551 = vector.broadcast %jit3A_550 : i32 to vector<1024x128xi32>
    %select_n3A_552 = arith.select %lt3A_548, %broadcast_in_dim3A_551, %select_n3A_540 : vector<1024x128xi1>, vector<1024x128xi32>
    %get3A_553 = arith.constant 5760 : index
    %get3A_554 = arith.constant 0 : index
    %get3A_555 = vector.load %arg7[%get3A_553, %get3A_554] : memref<8192x128xbf16, #tpu.memory_space<vmem>>, vector<128x128xbf16>
    %dot_general3A_556 = arith.constant dense<0.000000e+00> : vector<1024x128xf32>
    %dot_general3A_557 = tpu.matmul %convert_element_type3A_19, %get3A_555, %dot_general3A_556 {dimension_numbers = #tpu.dot_dimension_numbers<[1], [1], [0], [0], [0, 0, 1, 0], [], []>, transpose_lhs_hint = false} : vector<1024x128xbf16>, vector<128x128xbf16>, vector<1024x128xf32> -> vector<1024x128xf32>
    %slice3A_558 = vector.extract_strided_slice %add3A_18 {offsets = [0, 5632], sizes = [1024, 128], strides = [1, 1]} : vector<1024x8192xf32> to vector<1024x128xf32>
    %add3A_559 = arith.addf %slice3A_558, %dot_general3A_545 : vector<1024x128xf32>
    %lt3A_560 = arith.cmpf olt, %add3A_559, %select_n3A_549 : vector<1024x128xf32>
    %select_n3A_561 = arith.select %lt3A_560, %add3A_559, %select_n3A_549 : vector<1024x128xi1>, vector<1024x128xf32>
    %jit3A_562 = arith.constant 44 : i32
    %broadcast_in_dim3A_563 = vector.broadcast %jit3A_562 : i32 to vector<1024x128xi32>
    %select_n3A_564 = arith.select %lt3A_560, %broadcast_in_dim3A_563, %select_n3A_552 : vector<1024x128xi1>, vector<1024x128xi32>
    %get3A_565 = arith.constant 5888 : index
    %get3A_566 = arith.constant 0 : index
    %get3A_567 = vector.load %arg7[%get3A_565, %get3A_566] : memref<8192x128xbf16, #tpu.memory_space<vmem>>, vector<128x128xbf16>
    %dot_general3A_568 = arith.constant dense<0.000000e+00> : vector<1024x128xf32>
    %dot_general3A_569 = tpu.matmul %convert_element_type3A_19, %get3A_567, %dot_general3A_568 {dimension_numbers = #tpu.dot_dimension_numbers<[1], [1], [0], [0], [0, 0, 1, 0], [], []>, transpose_lhs_hint = false} : vector<1024x128xbf16>, vector<128x128xbf16>, vector<1024x128xf32> -> vector<1024x128xf32>
    %slice3A_570 = vector.extract_strided_slice %add3A_18 {offsets = [0, 5760], sizes = [1024, 128], strides = [1, 1]} : vector<1024x8192xf32> to vector<1024x128xf32>
    %add3A_571 = arith.addf %slice3A_570, %dot_general3A_557 : vector<1024x128xf32>
    %lt3A_572 = arith.cmpf olt, %add3A_571, %select_n3A_561 : vector<1024x128xf32>
    %select_n3A_573 = arith.select %lt3A_572, %add3A_571, %select_n3A_561 : vector<1024x128xi1>, vector<1024x128xf32>
    %jit3A_574 = arith.constant 45 : i32
    %broadcast_in_dim3A_575 = vector.broadcast %jit3A_574 : i32 to vector<1024x128xi32>
    %select_n3A_576 = arith.select %lt3A_572, %broadcast_in_dim3A_575, %select_n3A_564 : vector<1024x128xi1>, vector<1024x128xi32>
    %get3A_577 = arith.constant 6016 : index
    %get3A_578 = arith.constant 0 : index
    %get3A_579 = vector.load %arg7[%get3A_577, %get3A_578] : memref<8192x128xbf16, #tpu.memory_space<vmem>>, vector<128x128xbf16>
    %dot_general3A_580 = arith.constant dense<0.000000e+00> : vector<1024x128xf32>
    %dot_general3A_581 = tpu.matmul %convert_element_type3A_19, %get3A_579, %dot_general3A_580 {dimension_numbers = #tpu.dot_dimension_numbers<[1], [1], [0], [0], [0, 0, 1, 0], [], []>, transpose_lhs_hint = false} : vector<1024x128xbf16>, vector<128x128xbf16>, vector<1024x128xf32> -> vector<1024x128xf32>
    %slice3A_582 = vector.extract_strided_slice %add3A_18 {offsets = [0, 5888], sizes = [1024, 128], strides = [1, 1]} : vector<1024x8192xf32> to vector<1024x128xf32>
    %add3A_583 = arith.addf %slice3A_582, %dot_general3A_569 : vector<1024x128xf32>
    %lt3A_584 = arith.cmpf olt, %add3A_583, %select_n3A_573 : vector<1024x128xf32>
    %select_n3A_585 = arith.select %lt3A_584, %add3A_583, %select_n3A_573 : vector<1024x128xi1>, vector<1024x128xf32>
    %jit3A_586 = arith.constant 46 : i32
    %broadcast_in_dim3A_587 = vector.broadcast %jit3A_586 : i32 to vector<1024x128xi32>
    %select_n3A_588 = arith.select %lt3A_584, %broadcast_in_dim3A_587, %select_n3A_576 : vector<1024x128xi1>, vector<1024x128xi32>
    %get3A_589 = arith.constant 6144 : index
    %get3A_590 = arith.constant 0 : index
    %get3A_591 = vector.load %arg7[%get3A_589, %get3A_590] : memref<8192x128xbf16, #tpu.memory_space<vmem>>, vector<128x128xbf16>
    %dot_general3A_592 = arith.constant dense<0.000000e+00> : vector<1024x128xf32>
    %dot_general3A_593 = tpu.matmul %convert_element_type3A_19, %get3A_591, %dot_general3A_592 {dimension_numbers = #tpu.dot_dimension_numbers<[1], [1], [0], [0], [0, 0, 1, 0], [], []>, transpose_lhs_hint = false} : vector<1024x128xbf16>, vector<128x128xbf16>, vector<1024x128xf32> -> vector<1024x128xf32>
    %slice3A_594 = vector.extract_strided_slice %add3A_18 {offsets = [0, 6016], sizes = [1024, 128], strides = [1, 1]} : vector<1024x8192xf32> to vector<1024x128xf32>
    %add3A_595 = arith.addf %slice3A_594, %dot_general3A_581 : vector<1024x128xf32>
    %lt3A_596 = arith.cmpf olt, %add3A_595, %select_n3A_585 : vector<1024x128xf32>
    %select_n3A_597 = arith.select %lt3A_596, %add3A_595, %select_n3A_585 : vector<1024x128xi1>, vector<1024x128xf32>
    %jit3A_598 = arith.constant 47 : i32
    %broadcast_in_dim3A_599 = vector.broadcast %jit3A_598 : i32 to vector<1024x128xi32>
    %select_n3A_600 = arith.select %lt3A_596, %broadcast_in_dim3A_599, %select_n3A_588 : vector<1024x128xi1>, vector<1024x128xi32>
    %get3A_601 = arith.constant 6272 : index
    %get3A_602 = arith.constant 0 : index
    %get3A_603 = vector.load %arg7[%get3A_601, %get3A_602] : memref<8192x128xbf16, #tpu.memory_space<vmem>>, vector<128x128xbf16>
    %dot_general3A_604 = arith.constant dense<0.000000e+00> : vector<1024x128xf32>
    %dot_general3A_605 = tpu.matmul %convert_element_type3A_19, %get3A_603, %dot_general3A_604 {dimension_numbers = #tpu.dot_dimension_numbers<[1], [1], [0], [0], [0, 0, 1, 0], [], []>, transpose_lhs_hint = false} : vector<1024x128xbf16>, vector<128x128xbf16>, vector<1024x128xf32> -> vector<1024x128xf32>
    %slice3A_606 = vector.extract_strided_slice %add3A_18 {offsets = [0, 6144], sizes = [1024, 128], strides = [1, 1]} : vector<1024x8192xf32> to vector<1024x128xf32>
    %add3A_607 = arith.addf %slice3A_606, %dot_general3A_593 : vector<1024x128xf32>
    %lt3A_608 = arith.cmpf olt, %add3A_607, %select_n3A_597 : vector<1024x128xf32>
    %select_n3A_609 = arith.select %lt3A_608, %add3A_607, %select_n3A_597 : vector<1024x128xi1>, vector<1024x128xf32>
    %jit3A_610 = arith.constant 48 : i32
    %broadcast_in_dim3A_611 = vector.broadcast %jit3A_610 : i32 to vector<1024x128xi32>
    %select_n3A_612 = arith.select %lt3A_608, %broadcast_in_dim3A_611, %select_n3A_600 : vector<1024x128xi1>, vector<1024x128xi32>
    %get3A_613 = arith.constant 6400 : index
    %get3A_614 = arith.constant 0 : index
    %get3A_615 = vector.load %arg7[%get3A_613, %get3A_614] : memref<8192x128xbf16, #tpu.memory_space<vmem>>, vector<128x128xbf16>
    %dot_general3A_616 = arith.constant dense<0.000000e+00> : vector<1024x128xf32>
    %dot_general3A_617 = tpu.matmul %convert_element_type3A_19, %get3A_615, %dot_general3A_616 {dimension_numbers = #tpu.dot_dimension_numbers<[1], [1], [0], [0], [0, 0, 1, 0], [], []>, transpose_lhs_hint = false} : vector<1024x128xbf16>, vector<128x128xbf16>, vector<1024x128xf32> -> vector<1024x128xf32>
    %slice3A_618 = vector.extract_strided_slice %add3A_18 {offsets = [0, 6272], sizes = [1024, 128], strides = [1, 1]} : vector<1024x8192xf32> to vector<1024x128xf32>
    %add3A_619 = arith.addf %slice3A_618, %dot_general3A_605 : vector<1024x128xf32>
    %lt3A_620 = arith.cmpf olt, %add3A_619, %select_n3A_609 : vector<1024x128xf32>
    %select_n3A_621 = arith.select %lt3A_620, %add3A_619, %select_n3A_609 : vector<1024x128xi1>, vector<1024x128xf32>
    %jit3A_622 = arith.constant 49 : i32
    %broadcast_in_dim3A_623 = vector.broadcast %jit3A_622 : i32 to vector<1024x128xi32>
    %select_n3A_624 = arith.select %lt3A_620, %broadcast_in_dim3A_623, %select_n3A_612 : vector<1024x128xi1>, vector<1024x128xi32>
    %get3A_625 = arith.constant 6528 : index
    %get3A_626 = arith.constant 0 : index
    %get3A_627 = vector.load %arg7[%get3A_625, %get3A_626] : memref<8192x128xbf16, #tpu.memory_space<vmem>>, vector<128x128xbf16>
    %dot_general3A_628 = arith.constant dense<0.000000e+00> : vector<1024x128xf32>
    %dot_general3A_629 = tpu.matmul %convert_element_type3A_19, %get3A_627, %dot_general3A_628 {dimension_numbers = #tpu.dot_dimension_numbers<[1], [1], [0], [0], [0, 0, 1, 0], [], []>, transpose_lhs_hint = false} : vector<1024x128xbf16>, vector<128x128xbf16>, vector<1024x128xf32> -> vector<1024x128xf32>
    %slice3A_630 = vector.extract_strided_slice %add3A_18 {offsets = [0, 6400], sizes = [1024, 128], strides = [1, 1]} : vector<1024x8192xf32> to vector<1024x128xf32>
    %add3A_631 = arith.addf %slice3A_630, %dot_general3A_617 : vector<1024x128xf32>
    %lt3A_632 = arith.cmpf olt, %add3A_631, %select_n3A_621 : vector<1024x128xf32>
    %select_n3A_633 = arith.select %lt3A_632, %add3A_631, %select_n3A_621 : vector<1024x128xi1>, vector<1024x128xf32>
    %jit3A_634 = arith.constant 50 : i32
    %broadcast_in_dim3A_635 = vector.broadcast %jit3A_634 : i32 to vector<1024x128xi32>
    %select_n3A_636 = arith.select %lt3A_632, %broadcast_in_dim3A_635, %select_n3A_624 : vector<1024x128xi1>, vector<1024x128xi32>
    %get3A_637 = arith.constant 6656 : index
    %get3A_638 = arith.constant 0 : index
    %get3A_639 = vector.load %arg7[%get3A_637, %get3A_638] : memref<8192x128xbf16, #tpu.memory_space<vmem>>, vector<128x128xbf16>
    %dot_general3A_640 = arith.constant dense<0.000000e+00> : vector<1024x128xf32>
    %dot_general3A_641 = tpu.matmul %convert_element_type3A_19, %get3A_639, %dot_general3A_640 {dimension_numbers = #tpu.dot_dimension_numbers<[1], [1], [0], [0], [0, 0, 1, 0], [], []>, transpose_lhs_hint = false} : vector<1024x128xbf16>, vector<128x128xbf16>, vector<1024x128xf32> -> vector<1024x128xf32>
    %slice3A_642 = vector.extract_strided_slice %add3A_18 {offsets = [0, 6528], sizes = [1024, 128], strides = [1, 1]} : vector<1024x8192xf32> to vector<1024x128xf32>
    %add3A_643 = arith.addf %slice3A_642, %dot_general3A_629 : vector<1024x128xf32>
    %lt3A_644 = arith.cmpf olt, %add3A_643, %select_n3A_633 : vector<1024x128xf32>
    %select_n3A_645 = arith.select %lt3A_644, %add3A_643, %select_n3A_633 : vector<1024x128xi1>, vector<1024x128xf32>
    %jit3A_646 = arith.constant 51 : i32
    %broadcast_in_dim3A_647 = vector.broadcast %jit3A_646 : i32 to vector<1024x128xi32>
    %select_n3A_648 = arith.select %lt3A_644, %broadcast_in_dim3A_647, %select_n3A_636 : vector<1024x128xi1>, vector<1024x128xi32>
    %get3A_649 = arith.constant 6784 : index
    %get3A_650 = arith.constant 0 : index
    %get3A_651 = vector.load %arg7[%get3A_649, %get3A_650] : memref<8192x128xbf16, #tpu.memory_space<vmem>>, vector<128x128xbf16>
    %dot_general3A_652 = arith.constant dense<0.000000e+00> : vector<1024x128xf32>
    %dot_general3A_653 = tpu.matmul %convert_element_type3A_19, %get3A_651, %dot_general3A_652 {dimension_numbers = #tpu.dot_dimension_numbers<[1], [1], [0], [0], [0, 0, 1, 0], [], []>, transpose_lhs_hint = false} : vector<1024x128xbf16>, vector<128x128xbf16>, vector<1024x128xf32> -> vector<1024x128xf32>
    %slice3A_654 = vector.extract_strided_slice %add3A_18 {offsets = [0, 6656], sizes = [1024, 128], strides = [1, 1]} : vector<1024x8192xf32> to vector<1024x128xf32>
    %add3A_655 = arith.addf %slice3A_654, %dot_general3A_641 : vector<1024x128xf32>
    %lt3A_656 = arith.cmpf olt, %add3A_655, %select_n3A_645 : vector<1024x128xf32>
    %select_n3A_657 = arith.select %lt3A_656, %add3A_655, %select_n3A_645 : vector<1024x128xi1>, vector<1024x128xf32>
    %jit3A_658 = arith.constant 52 : i32
    %broadcast_in_dim3A_659 = vector.broadcast %jit3A_658 : i32 to vector<1024x128xi32>
    %select_n3A_660 = arith.select %lt3A_656, %broadcast_in_dim3A_659, %select_n3A_648 : vector<1024x128xi1>, vector<1024x128xi32>
    %get3A_661 = arith.constant 6912 : index
    %get3A_662 = arith.constant 0 : index
    %get3A_663 = vector.load %arg7[%get3A_661, %get3A_662] : memref<8192x128xbf16, #tpu.memory_space<vmem>>, vector<128x128xbf16>
    %dot_general3A_664 = arith.constant dense<0.000000e+00> : vector<1024x128xf32>
    %dot_general3A_665 = tpu.matmul %convert_element_type3A_19, %get3A_663, %dot_general3A_664 {dimension_numbers = #tpu.dot_dimension_numbers<[1], [1], [0], [0], [0, 0, 1, 0], [], []>, transpose_lhs_hint = false} : vector<1024x128xbf16>, vector<128x128xbf16>, vector<1024x128xf32> -> vector<1024x128xf32>
    %slice3A_666 = vector.extract_strided_slice %add3A_18 {offsets = [0, 6784], sizes = [1024, 128], strides = [1, 1]} : vector<1024x8192xf32> to vector<1024x128xf32>
    %add3A_667 = arith.addf %slice3A_666, %dot_general3A_653 : vector<1024x128xf32>
    %lt3A_668 = arith.cmpf olt, %add3A_667, %select_n3A_657 : vector<1024x128xf32>
    %select_n3A_669 = arith.select %lt3A_668, %add3A_667, %select_n3A_657 : vector<1024x128xi1>, vector<1024x128xf32>
    %jit3A_670 = arith.constant 53 : i32
    %broadcast_in_dim3A_671 = vector.broadcast %jit3A_670 : i32 to vector<1024x128xi32>
    %select_n3A_672 = arith.select %lt3A_668, %broadcast_in_dim3A_671, %select_n3A_660 : vector<1024x128xi1>, vector<1024x128xi32>
    %get3A_673 = arith.constant 7040 : index
    %get3A_674 = arith.constant 0 : index
    %get3A_675 = vector.load %arg7[%get3A_673, %get3A_674] : memref<8192x128xbf16, #tpu.memory_space<vmem>>, vector<128x128xbf16>
    %dot_general3A_676 = arith.constant dense<0.000000e+00> : vector<1024x128xf32>
    %dot_general3A_677 = tpu.matmul %convert_element_type3A_19, %get3A_675, %dot_general3A_676 {dimension_numbers = #tpu.dot_dimension_numbers<[1], [1], [0], [0], [0, 0, 1, 0], [], []>, transpose_lhs_hint = false} : vector<1024x128xbf16>, vector<128x128xbf16>, vector<1024x128xf32> -> vector<1024x128xf32>
    %slice3A_678 = vector.extract_strided_slice %add3A_18 {offsets = [0, 6912], sizes = [1024, 128], strides = [1, 1]} : vector<1024x8192xf32> to vector<1024x128xf32>
    %add3A_679 = arith.addf %slice3A_678, %dot_general3A_665 : vector<1024x128xf32>
    %lt3A_680 = arith.cmpf olt, %add3A_679, %select_n3A_669 : vector<1024x128xf32>
    %select_n3A_681 = arith.select %lt3A_680, %add3A_679, %select_n3A_669 : vector<1024x128xi1>, vector<1024x128xf32>
    %jit3A_682 = arith.constant 54 : i32
    %broadcast_in_dim3A_683 = vector.broadcast %jit3A_682 : i32 to vector<1024x128xi32>
    %select_n3A_684 = arith.select %lt3A_680, %broadcast_in_dim3A_683, %select_n3A_672 : vector<1024x128xi1>, vector<1024x128xi32>
    %get3A_685 = arith.constant 7168 : index
    %get3A_686 = arith.constant 0 : index
    %get3A_687 = vector.load %arg7[%get3A_685, %get3A_686] : memref<8192x128xbf16, #tpu.memory_space<vmem>>, vector<128x128xbf16>
    %dot_general3A_688 = arith.constant dense<0.000000e+00> : vector<1024x128xf32>
    %dot_general3A_689 = tpu.matmul %convert_element_type3A_19, %get3A_687, %dot_general3A_688 {dimension_numbers = #tpu.dot_dimension_numbers<[1], [1], [0], [0], [0, 0, 1, 0], [], []>, transpose_lhs_hint = false} : vector<1024x128xbf16>, vector<128x128xbf16>, vector<1024x128xf32> -> vector<1024x128xf32>
    %slice3A_690 = vector.extract_strided_slice %add3A_18 {offsets = [0, 7040], sizes = [1024, 128], strides = [1, 1]} : vector<1024x8192xf32> to vector<1024x128xf32>
    %add3A_691 = arith.addf %slice3A_690, %dot_general3A_677 : vector<1024x128xf32>
    %lt3A_692 = arith.cmpf olt, %add3A_691, %select_n3A_681 : vector<1024x128xf32>
    %select_n3A_693 = arith.select %lt3A_692, %add3A_691, %select_n3A_681 : vector<1024x128xi1>, vector<1024x128xf32>
    %jit3A_694 = arith.constant 55 : i32
    %broadcast_in_dim3A_695 = vector.broadcast %jit3A_694 : i32 to vector<1024x128xi32>
    %select_n3A_696 = arith.select %lt3A_692, %broadcast_in_dim3A_695, %select_n3A_684 : vector<1024x128xi1>, vector<1024x128xi32>
    %get3A_697 = arith.constant 7296 : index
    %get3A_698 = arith.constant 0 : index
    %get3A_699 = vector.load %arg7[%get3A_697, %get3A_698] : memref<8192x128xbf16, #tpu.memory_space<vmem>>, vector<128x128xbf16>
    %dot_general3A_700 = arith.constant dense<0.000000e+00> : vector<1024x128xf32>
    %dot_general3A_701 = tpu.matmul %convert_element_type3A_19, %get3A_699, %dot_general3A_700 {dimension_numbers = #tpu.dot_dimension_numbers<[1], [1], [0], [0], [0, 0, 1, 0], [], []>, transpose_lhs_hint = false} : vector<1024x128xbf16>, vector<128x128xbf16>, vector<1024x128xf32> -> vector<1024x128xf32>
    %slice3A_702 = vector.extract_strided_slice %add3A_18 {offsets = [0, 7168], sizes = [1024, 128], strides = [1, 1]} : vector<1024x8192xf32> to vector<1024x128xf32>
    %add3A_703 = arith.addf %slice3A_702, %dot_general3A_689 : vector<1024x128xf32>
    %lt3A_704 = arith.cmpf olt, %add3A_703, %select_n3A_693 : vector<1024x128xf32>
    %select_n3A_705 = arith.select %lt3A_704, %add3A_703, %select_n3A_693 : vector<1024x128xi1>, vector<1024x128xf32>
    %jit3A_706 = arith.constant 56 : i32
    %broadcast_in_dim3A_707 = vector.broadcast %jit3A_706 : i32 to vector<1024x128xi32>
    %select_n3A_708 = arith.select %lt3A_704, %broadcast_in_dim3A_707, %select_n3A_696 : vector<1024x128xi1>, vector<1024x128xi32>
    %get3A_709 = arith.constant 7424 : index
    %get3A_710 = arith.constant 0 : index
    %get3A_711 = vector.load %arg7[%get3A_709, %get3A_710] : memref<8192x128xbf16, #tpu.memory_space<vmem>>, vector<128x128xbf16>
    %dot_general3A_712 = arith.constant dense<0.000000e+00> : vector<1024x128xf32>
    %dot_general3A_713 = tpu.matmul %convert_element_type3A_19, %get3A_711, %dot_general3A_712 {dimension_numbers = #tpu.dot_dimension_numbers<[1], [1], [0], [0], [0, 0, 1, 0], [], []>, transpose_lhs_hint = false} : vector<1024x128xbf16>, vector<128x128xbf16>, vector<1024x128xf32> -> vector<1024x128xf32>
    %slice3A_714 = vector.extract_strided_slice %add3A_18 {offsets = [0, 7296], sizes = [1024, 128], strides = [1, 1]} : vector<1024x8192xf32> to vector<1024x128xf32>
    %add3A_715 = arith.addf %slice3A_714, %dot_general3A_701 : vector<1024x128xf32>
    %lt3A_716 = arith.cmpf olt, %add3A_715, %select_n3A_705 : vector<1024x128xf32>
    %select_n3A_717 = arith.select %lt3A_716, %add3A_715, %select_n3A_705 : vector<1024x128xi1>, vector<1024x128xf32>
    %jit3A_718 = arith.constant 57 : i32
    %broadcast_in_dim3A_719 = vector.broadcast %jit3A_718 : i32 to vector<1024x128xi32>
    %select_n3A_720 = arith.select %lt3A_716, %broadcast_in_dim3A_719, %select_n3A_708 : vector<1024x128xi1>, vector<1024x128xi32>
    %get3A_721 = arith.constant 7552 : index
    %get3A_722 = arith.constant 0 : index
    %get3A_723 = vector.load %arg7[%get3A_721, %get3A_722] : memref<8192x128xbf16, #tpu.memory_space<vmem>>, vector<128x128xbf16>
    %dot_general3A_724 = arith.constant dense<0.000000e+00> : vector<1024x128xf32>
    %dot_general3A_725 = tpu.matmul %convert_element_type3A_19, %get3A_723, %dot_general3A_724 {dimension_numbers = #tpu.dot_dimension_numbers<[1], [1], [0], [0], [0, 0, 1, 0], [], []>, transpose_lhs_hint = false} : vector<1024x128xbf16>, vector<128x128xbf16>, vector<1024x128xf32> -> vector<1024x128xf32>
    %slice3A_726 = vector.extract_strided_slice %add3A_18 {offsets = [0, 7424], sizes = [1024, 128], strides = [1, 1]} : vector<1024x8192xf32> to vector<1024x128xf32>
    %add3A_727 = arith.addf %slice3A_726, %dot_general3A_713 : vector<1024x128xf32>
    %lt3A_728 = arith.cmpf olt, %add3A_727, %select_n3A_717 : vector<1024x128xf32>
    %select_n3A_729 = arith.select %lt3A_728, %add3A_727, %select_n3A_717 : vector<1024x128xi1>, vector<1024x128xf32>
    %jit3A_730 = arith.constant 58 : i32
    %broadcast_in_dim3A_731 = vector.broadcast %jit3A_730 : i32 to vector<1024x128xi32>
    %select_n3A_732 = arith.select %lt3A_728, %broadcast_in_dim3A_731, %select_n3A_720 : vector<1024x128xi1>, vector<1024x128xi32>
    %get3A_733 = arith.constant 7680 : index
    %get3A_734 = arith.constant 0 : index
    %get3A_735 = vector.load %arg7[%get3A_733, %get3A_734] : memref<8192x128xbf16, #tpu.memory_space<vmem>>, vector<128x128xbf16>
    %dot_general3A_736 = arith.constant dense<0.000000e+00> : vector<1024x128xf32>
    %dot_general3A_737 = tpu.matmul %convert_element_type3A_19, %get3A_735, %dot_general3A_736 {dimension_numbers = #tpu.dot_dimension_numbers<[1], [1], [0], [0], [0, 0, 1, 0], [], []>, transpose_lhs_hint = false} : vector<1024x128xbf16>, vector<128x128xbf16>, vector<1024x128xf32> -> vector<1024x128xf32>
    %slice3A_738 = vector.extract_strided_slice %add3A_18 {offsets = [0, 7552], sizes = [1024, 128], strides = [1, 1]} : vector<1024x8192xf32> to vector<1024x128xf32>
    %add3A_739 = arith.addf %slice3A_738, %dot_general3A_725 : vector<1024x128xf32>
    %lt3A_740 = arith.cmpf olt, %add3A_739, %select_n3A_729 : vector<1024x128xf32>
    %select_n3A_741 = arith.select %lt3A_740, %add3A_739, %select_n3A_729 : vector<1024x128xi1>, vector<1024x128xf32>
    %jit3A_742 = arith.constant 59 : i32
    %broadcast_in_dim3A_743 = vector.broadcast %jit3A_742 : i32 to vector<1024x128xi32>
    %select_n3A_744 = arith.select %lt3A_740, %broadcast_in_dim3A_743, %select_n3A_732 : vector<1024x128xi1>, vector<1024x128xi32>
    %get3A_745 = arith.constant 7808 : index
    %get3A_746 = arith.constant 0 : index
    %get3A_747 = vector.load %arg7[%get3A_745, %get3A_746] : memref<8192x128xbf16, #tpu.memory_space<vmem>>, vector<128x128xbf16>
    %dot_general3A_748 = arith.constant dense<0.000000e+00> : vector<1024x128xf32>
    %dot_general3A_749 = tpu.matmul %convert_element_type3A_19, %get3A_747, %dot_general3A_748 {dimension_numbers = #tpu.dot_dimension_numbers<[1], [1], [0], [0], [0, 0, 1, 0], [], []>, transpose_lhs_hint = false} : vector<1024x128xbf16>, vector<128x128xbf16>, vector<1024x128xf32> -> vector<1024x128xf32>
    %slice3A_750 = vector.extract_strided_slice %add3A_18 {offsets = [0, 7680], sizes = [1024, 128], strides = [1, 1]} : vector<1024x8192xf32> to vector<1024x128xf32>
    %add3A_751 = arith.addf %slice3A_750, %dot_general3A_737 : vector<1024x128xf32>
    %lt3A_752 = arith.cmpf olt, %add3A_751, %select_n3A_741 : vector<1024x128xf32>
    %select_n3A_753 = arith.select %lt3A_752, %add3A_751, %select_n3A_741 : vector<1024x128xi1>, vector<1024x128xf32>
    %jit3A_754 = arith.constant 60 : i32
    %broadcast_in_dim3A_755 = vector.broadcast %jit3A_754 : i32 to vector<1024x128xi32>
    %select_n3A_756 = arith.select %lt3A_752, %broadcast_in_dim3A_755, %select_n3A_744 : vector<1024x128xi1>, vector<1024x128xi32>
    %get3A_757 = arith.constant 7936 : index
    %get3A_758 = arith.constant 0 : index
    %get3A_759 = vector.load %arg7[%get3A_757, %get3A_758] : memref<8192x128xbf16, #tpu.memory_space<vmem>>, vector<128x128xbf16>
    %dot_general3A_760 = arith.constant dense<0.000000e+00> : vector<1024x128xf32>
    %dot_general3A_761 = tpu.matmul %convert_element_type3A_19, %get3A_759, %dot_general3A_760 {dimension_numbers = #tpu.dot_dimension_numbers<[1], [1], [0], [0], [0, 0, 1, 0], [], []>, transpose_lhs_hint = false} : vector<1024x128xbf16>, vector<128x128xbf16>, vector<1024x128xf32> -> vector<1024x128xf32>
    %slice3A_762 = vector.extract_strided_slice %add3A_18 {offsets = [0, 7808], sizes = [1024, 128], strides = [1, 1]} : vector<1024x8192xf32> to vector<1024x128xf32>
    %add3A_763 = arith.addf %slice3A_762, %dot_general3A_749 : vector<1024x128xf32>
    %lt3A_764 = arith.cmpf olt, %add3A_763, %select_n3A_753 : vector<1024x128xf32>
    %select_n3A_765 = arith.select %lt3A_764, %add3A_763, %select_n3A_753 : vector<1024x128xi1>, vector<1024x128xf32>
    %jit3A_766 = arith.constant 61 : i32
    %broadcast_in_dim3A_767 = vector.broadcast %jit3A_766 : i32 to vector<1024x128xi32>
    %select_n3A_768 = arith.select %lt3A_764, %broadcast_in_dim3A_767, %select_n3A_756 : vector<1024x128xi1>, vector<1024x128xi32>
    %get3A_769 = arith.constant 8064 : index
    %get3A_770 = arith.constant 0 : index
    %get3A_771 = vector.load %arg7[%get3A_769, %get3A_770] : memref<8192x128xbf16, #tpu.memory_space<vmem>>, vector<128x128xbf16>
    %dot_general3A_772 = arith.constant dense<0.000000e+00> : vector<1024x128xf32>
    %dot_general3A_773 = tpu.matmul %convert_element_type3A_19, %get3A_771, %dot_general3A_772 {dimension_numbers = #tpu.dot_dimension_numbers<[1], [1], [0], [0], [0, 0, 1, 0], [], []>, transpose_lhs_hint = false} : vector<1024x128xbf16>, vector<128x128xbf16>, vector<1024x128xf32> -> vector<1024x128xf32>
    %slice3A_774 = vector.extract_strided_slice %add3A_18 {offsets = [0, 7936], sizes = [1024, 128], strides = [1, 1]} : vector<1024x8192xf32> to vector<1024x128xf32>
    %add3A_775 = arith.addf %slice3A_774, %dot_general3A_761 : vector<1024x128xf32>
    %lt3A_776 = arith.cmpf olt, %add3A_775, %select_n3A_765 : vector<1024x128xf32>
    %select_n3A_777 = arith.select %lt3A_776, %add3A_775, %select_n3A_765 : vector<1024x128xi1>, vector<1024x128xf32>
    %jit3A_778 = arith.constant 62 : i32
    %broadcast_in_dim3A_779 = vector.broadcast %jit3A_778 : i32 to vector<1024x128xi32>
    %select_n3A_780 = arith.select %lt3A_776, %broadcast_in_dim3A_779, %select_n3A_768 : vector<1024x128xi1>, vector<1024x128xi32>
    %slice3A_781 = vector.extract_strided_slice %add3A_18 {offsets = [0, 8064], sizes = [1024, 128], strides = [1, 1]} : vector<1024x8192xf32> to vector<1024x128xf32>
    %add3A_782 = arith.addf %slice3A_781, %dot_general3A_773 : vector<1024x128xf32>
    %lt3A_783 = arith.cmpf olt, %add3A_782, %select_n3A_777 : vector<1024x128xf32>
    %select_n3A_784 = arith.select %lt3A_783, %add3A_782, %select_n3A_777 : vector<1024x128xi1>, vector<1024x128xf32>
    %jit3A_785 = arith.constant 63 : i32
    %broadcast_in_dim3A_786 = vector.broadcast %jit3A_785 : i32 to vector<1024x128xi32>
    %select_n3A_787 = arith.select %lt3A_783, %broadcast_in_dim3A_786, %select_n3A_780 : vector<1024x128xi1>, vector<1024x128xi32>
    %reduce_min3A = arith.constant dense<0x7F800000> : vector<1024xf32>
    %reduce_min3A_788 = vector.multi_reduction <minimumf>, %select_n3A_784, %reduce_min3A [1] : vector<1024x128xf32> to vector<1024xf32>
    %broadcast_in_dim3A_789 = vector.shape_cast %reduce_min3A_788 : vector<1024xf32> to vector<1024x1xf32>
    %iota3A = tpu.iota {dimensions = array<i32: 1>} : vector<1024x128xi32>
    %mul3A_790 = arith.constant 128 : i32
    %mul3A_791 = vector.broadcast %mul3A_790 : i32 to vector<1024x128xi32>
    %mul3A_792 = arith.muli %select_n3A_787, %mul3A_791 : vector<1024x128xi32>
    %add3A_793 = arith.addi %mul3A_792, %iota3A : vector<1024x128xi32>
    %eq3A_794 = vector.broadcast %broadcast_in_dim3A_789 : vector<1024x1xf32> to vector<1024x128xf32>
    %eq3A_795 = arith.cmpf oeq, %select_n3A_784, %eq3A_794 : vector<1024x128xf32>
    %jit3A_796 = arith.constant 8192 : i32
    %broadcast_in_dim3A_797 = vector.broadcast %jit3A_796 : i32 to vector<1024x128xi32>
    %select_n3A_798 = arith.select %eq3A_795, %add3A_793, %broadcast_in_dim3A_797 : vector<1024x128xi1>, vector<1024x128xi32>
    %reduce_min3A_799 = arith.constant dense<2147483647> : vector<1024xi32>
    %reduce_min3A_800 = vector.multi_reduction <minsi>, %select_n3A_798, %reduce_min3A_799 [1] : vector<1024x128xi32> to vector<1024xi32>
    %swap3A = arith.constant 0 : index
    %swap3A_801 = arith.constant 0 : index
    %swap3A_802 = arith.constant 0 : index
    %swap3A_803 = vector.load %arg4[%swap3A, %swap3A_801, %swap3A_802] : memref<1x1x1024xi32, #tpu.memory_space<vmem>>, vector<1x1x1024xi32>
    %swap3A_804 = vector.shape_cast %swap3A_803 : vector<1x1x1024xi32> to vector<1024xi32>
    %swap3A_805 = vector.shape_cast %reduce_min3A_800 : vector<1024xi32> to vector<1x1x1024xi32>
    tpu.vector_store %arg4[%swap3A, %swap3A_801, %swap3A_802], %swap3A_805 {strides = array<i32>} : memref<1x1x1024xi32, #tpu.memory_space<vmem>>, vector<1x1x1024xi32>,
    %eq3A_806 = arith.constant 0 : i32
    %eq3A_807 = arith.cmpi eq, %arg0, %eq3A_806 : i32
    %convert_element_type3A_808 = arith.extui %eq3A_807 : i1 to i32
    %cond3A_809 = arith.constant 0 : i32
    %cond3A_810 = arith.cmpi ne, %convert_element_type3A_808, %cond3A_809 : i32
    scf.if %cond3A_810 {
      %broadcast_in_dim3A_828 = arith.constant 0.000000e+00 : f32
      %broadcast_in_dim3A_829 = vector.broadcast %broadcast_in_dim3A_828 : f32 to vector<1x1xf32>
      %swap3A_830 = arith.constant 0 : index
      %swap3A_831 = arith.constant 0 : index
      %swap3A_832 = vector.load %arg5[%swap3A_830, %swap3A_831] : memref<1x1xf32, #tpu.memory_space<vmem>>, vector<1x1xf32>
      tpu.vector_store %arg5[%swap3A_830, %swap3A_831], %broadcast_in_dim3A_829 {strides = array<i32>} : memref<1x1xf32, #tpu.memory_space<vmem>>, vector<1x1xf32>,
    } else {
    }
    %get3A_811 = arith.constant 0 : index
    %get3A_812 = arith.constant 0 : index
    %get3A_813 = vector.load %arg5[%get3A_811, %get3A_812] : memref<1x1xf32, #tpu.memory_space<vmem>>, vector<1x1xf32>
    %reduce_sum3A_814 = vector.shape_cast %broadcast_in_dim3A_789 : vector<1024x1xf32> to vector<1x1024x1xf32>
    %reduce_sum3A_815 = arith.constant dense<0.000000e+00> : vector<1xf32>
    %reduce_sum3A_816 = vector.multi_reduction <add>, %reduce_sum3A_814, %reduce_sum3A_815 [1, 2] : vector<1x1024x1xf32> to vector<1xf32>
    %reduce_sum3A_817 = vector.shape_cast %reduce_sum3A_816 : vector<1xf32> to vector<1x1x1xf32>
    %reduce_sum3A_818 = vector.extract %reduce_sum3A_817[0, 0, 0] : f32 from vector<1x1x1xf32>
    %reshape3A = vector.broadcast %reduce_sum3A_818 : f32 to vector<1x1xf32>
    %add3A_819 = arith.addf %get3A_813, %reshape3A : vector<1x1xf32>
    %swap3A_820 = arith.constant 0 : index
    %swap3A_821 = arith.constant 0 : index
    %swap3A_822 = vector.load %arg5[%swap3A_820, %swap3A_821] : memref<1x1xf32, #tpu.memory_space<vmem>>, vector<1x1xf32>
    tpu.vector_store %arg5[%swap3A_820, %swap3A_821], %add3A_819 {strides = array<i32>} : memref<1x1xf32, #tpu.memory_space<vmem>>, vector<1x1xf32>,
    %eq3A_823 = arith.constant 7 : i32
    %eq3A_824 = arith.cmpi eq, %arg0, %eq3A_823 : i32
    %convert_element_type3A_825 = arith.extui %eq3A_824 : i1 to i32
    %cond3A_826 = arith.constant 0 : i32
    %cond3A_827 = arith.cmpi ne, %convert_element_type3A_825, %cond3A_826 : i32
    scf.if %cond3A_827 {
      %get3A_828 = arith.constant 0 : index
      %get3A_829 = arith.constant 0 : index
      %get3A_830 = vector.load %arg5[%get3A_828, %get3A_829] : memref<1x1xf32, #tpu.memory_space<vmem>>, vector<1x1xf32>
      %mul3A_831 = arith.constant 1.1920929E-6 : f32
      %mul3A_832 = vector.broadcast %mul3A_831 : f32 to vector<1x1xf32>
      %mul3A_833 = arith.mulf %get3A_830, %mul3A_832 : vector<1x1xf32>
      %swap3A_834 = arith.constant 0 : index
      %swap3A_835 = arith.constant 0 : index
      %swap3A_836 = vector.load %arg5[%swap3A_834, %swap3A_835] : memref<1x1xf32, #tpu.memory_space<vmem>>, vector<1x1xf32>
      tpu.vector_store %arg5[%swap3A_834, %swap3A_835], %mul3A_833 {strides = array<i32>} : memref<1x1xf32, #tpu.memory_space<vmem>>, vector<1x1xf32>,
    } else {
    }
    return
  }
  func.func @transform_0(%arg0: i32) -> (i32, i32) {
    %c0_i32 = arith.constant 0 : i32
    %c0_i32_0 = arith.constant 0 : i32
    return %arg0, %c0_i32 : i32, i32
  }
  func.func @transform_1(%arg0: i32) -> (i32, i32) {
    %c0_i32 = arith.constant 0 : i32
    %c0_i32_0 = arith.constant 0 : i32
    return %arg0, %c0_i32 : i32, i32
  }
  func.func @transform_2(%arg0: i32) -> (i32, i32) {
    %c0_i32 = arith.constant 0 : i32
    %c0_i32_0 = arith.constant 0 : i32
    %c0_i32_1 = arith.constant 0 : i32
    return %c0_i32, %c0_i32_0 : i32, i32
  }
  func.func @transform_3(%arg0: i32) -> (i32, i32, i32) {
    %c0_i32 = arith.constant 0 : i32
    %c0_i32_0 = arith.constant 0 : i32
    %c0_i32_1 = arith.constant 0 : i32
    return %arg0, %c0_i32, %c0_i32_0 : i32, i32, i32
  }
  func.func @transform_4(%arg0: i32) -> (i32, i32) {
    %c0_i32 = arith.constant 0 : i32
    %c0_i32_0 = arith.constant 0 : i32
    %c0_i32_1 = arith.constant 0 : i32
    return %c0_i32, %c0_i32_0 : i32, i32
  }
}

</mosaic_0001>

<sc_bundles>
// kernel: kernel.4.cloned.1.call-start
scs
__scs_entry_jumppad:
0x0: {  	(pc) =	sbr.rel $0x88, $3  }
0x1: {  	(tag) =	ssettag $0x0;
	lr =	simm.s32 $0x1  }
0x2: {  	[smem:$0x3F9E] =	sst lr;
	_ =	strace $0xD0000000  }
0x3: {  	_ = 	snop  }
0x4: {  	_ = 	snop  }
0x5: {  	_ = 	snop  }
0x6: {  	_ = 	snop  }
0x7: {  	_ = 	snop  }
__scs_overlays_trampoline_lowered:
0x8: {  	[smem:$0x3FAD] =	sst s0  }
0x9: {  	[smem:$0x3FAE] =	sst s1  }
0xa: {  	[smem:$0x3FAF] =	sst s2  }
0xb: {  	[smem:$0x3FB0] =	sst s3  }
0xc: {  	[smem:$0x3FB1] =	sst s4  }
0xd: {  	[smem:$0x3FB2] =	sst s5  }
0xe: {  	[smem:$0x3FB3] =	sst s6  }
0xf: {  	[smem:$0x3FB4] =	sst s7  }
0x10: {  	[smem:$0x3FB5] =	sst s8  }
0x11: {  	[smem:$0x3FB6] =	sst s9;
	s0 =	simm.s32 @!p0 $0x0  }
0x12: {  	s1 =	sld [smem:$0x3F9C];
	s0 =	simm.s32 @p0 $0x1  }
0x13: {  	[smem:$0x3FB7] =	sst s0;
	s0 =	simm.s32 @!p1 $0x0  }
0x14: {  	s2 =	sld [smem:$0x3F9B];
	s0 =	simm.s32 @p1 $0x1  }
0x15: {  	[smem:$0x3FB8] =	sst s0;
	s0 =	simm.s32 @!p2 $0x0  }
0x16: {  	s3 =	sld [smem:$0x3FDB];
	s0 =	simm.s32 @p2 $0x1  }
0x17: {  	s4 =	simm.s32 $0x1BF5;
	[smem:$0x3FBA] =	sst s0  }
0x18: {  	s0 =	sld [smem:$0x3F9D];
	_ =	swait.ge [sflag:s4], $0x0  }
0x19: {  	s7 =	sld [smem:$0x3F9E]  }
0x1a: {  	s8 =	sadd.s32 $0xFFFFE003, lr  }
0x1b: {  	s9 =	sadd.s32 $0xFFFFFEF7, lr;
	s5 =	simm.s32 $0xFFFFFFFF;
	p2 =	slt.u32 s8, $0xFFFFF086  }
0x1c: {  	p1 =	slt.u32 s9, $0xF7A;
	s5 =	simm.s32 @!p2 $0x0  }
0x1d: {  	s5 =	simm.s32 @p1 $0x1;
	p0 =	seq.s32 s7, s2  }
0x1e: {  	s7 =	smul.u32 @!p0 $0xF7A, s2;
	p2 =	seq.s32 @!p0 s5, $0x0  }
0x1f: {  	s9 =	smul.u32 $0xF7A, s1;
	s8 =	simm.s32 @!p0 $0x1BF5;
	p2 =	por !p2, p0  }
0x20: {  	[sflag:s8] =	ssyncset.s32 @!p0 $0xFFFFF086;
	s6 =	sadd.s32 @!p0 s3, s7;
	s7 =	simm.s32 @!p0 $0x108  }
0x21: {  	s3 =	sadd.s32 s3, s9;
	s6 =	sadd.s32 @!p0 $0x88, s6;
	s7 =	simm.s32 @p2 $0x1082  }
0x22: {  	[simem:s7], [sflag:s8] =	dma.local @!p0 [hbm:s6], $0xF7A  }
0x23: {  	s9 =	sor.u32 $0xD0000000, s2;
	s6 =	simm.s32 $0x108;
	_ =	swait.ge @!p0 [sflag:s8], $0x0  }
0x24: {  	s3 =	sadd.s32 $0x88, s3;
	s6 =	simm.s32 @!p1 $0x1082;
	[sflag:s4] =	ssyncset.s32 $0xFFFFF086  }
0x25: {  	[simem:s6], [sflag:s4] =	dma.local [hbm:s3], $0xF7A  }
0x26: {  	[smem:$0x3F9E] =	sst s1;
	(tag) =	ssettag s2;
	_ =	strace s9  }
0x27: {  	s1 =	sld [smem:$0x3FAE]  }
0x28: {  	s2 =	sld [smem:$0x3FAF]  }
0x29: {  	s4 =	sld [smem:$0x3FB1]  }
0x2a: {  	p0 =	seq.s32 s5, $0x0;
	s5 =	sld [smem:$0x3FB2]  }
0x2b: {  	s6 =	sld [smem:$0x3FB3]  }
0x2c: {  	s7 =	sld [smem:$0x3FB4]  }
0x2d: {  	s3 =	simm.s32 $0x108;
	s8 =	sld [smem:$0x3FB5]  }
0x2e: {  	s3 =	simm.s32 @!p0 $0x1082;
	s9 =	sld [smem:$0x3FB6]  }
0x2f: {  	lr =	sadd.s32 s0, s3;
	s0 =	sld [smem:$0x3FAD]  }
0x30: {  	s3 =	sld [smem:$0x3FB0]  }
0x31: {  	[smem:$0x3FB9] =	sst s10  }
0x32: {  	s10 =	sld [smem:$0x3FB7];
	_ =	sdelay $0x3  }
0x33: {  	p0 =	seq.s32 s10, $0x1;
	s10 =	sld [smem:$0x3FB9];
	_ =	sdelay $0x3  }
0x34: {  	[smem:$0x3FB9] =	sst s10  }
0x35: {  	s10 =	sld [smem:$0x3FB8];
	_ =	sdelay $0x3  }
0x36: {  	p1 =	seq.s32 s10, $0x1;
	s10 =	sld [smem:$0x3FB9];
	_ =	sdelay $0x3  }
0x37: {  	[smem:$0x3FB9] =	sst s10  }
0x38: {  	s10 =	sld [smem:$0x3FBA]  }
0x39: {  	_ = 	snop;
	(pc) =	sbr.ind lr, $3  }
0x3a: {  	_ = 	snop  }
0x3b: {  	_ = 	snop  }
0x3c: {  	p2 =	seq.s32 s10, $0x1;
	s10 =	sld [smem:$0x3FB9]  }
0x3d: {  	_ =	shalt  }
0x3e: {  	_ =	shalt  }
0x3f: {  	_ =	shalt  }
0x40: {  	_ =	shalt  }
0x41: {  	_ =	shalt  }
0x42: {  	_ =	shalt  }
0x43: {  	_ =	shalt  }
0x44: {  	_ =	shalt  }
0x45: {  	_ =	shalt  }
0x46: {  	_ =	shalt  }
0x47: {  	_ =	shalt  }
0x48: {  	_ =	shalt  }
0x49: {  	_ =	shalt  }
0x4a: {  	_ =	shalt  }
0x4b: {  	_ =	shalt  }
0x4c: {  	_ =	shalt  }
0x4d: {  	_ =	shalt  }
0x4e: {  	_ =	shalt  }
0x4f: {  	_ =	shalt  }
0x50: {  	_ =	shalt  }
0x51: {  	_ =	shalt  }
0x52: {  	_ =	shalt  }
0x53: {  	_ =	shalt  }
0x54: {  	_ =	shalt  }
0x55: {  	_ =	shalt  }
0x56: {  	_ =	shalt  }
0x57: {  	_ =	shalt  }
0x58: {  	_ =	shalt  }
0x59: {  	_ =	shalt  }
0x5a: {  	_ =	shalt  }
0x5b: {  	_ =	shalt  }
0x5c: {  	_ =	shalt  }
0x5d: {  	_ =	shalt  }
0x5e: {  	_ =	shalt  }
0x5f: {  	_ =	shalt  }
0x60: {  	_ =	shalt  }
0x61: {  	_ =	shalt  }
0x62: {  	_ =	shalt  }
0x63: {  	_ =	shalt  }
0x64: {  	_ =	shalt  }
0x65: {  	_ =	shalt  }
0x66: {  	_ =	shalt  }
0x67: {  	_ =	shalt  }
0x68: {  	_ =	shalt  }
0x69: {  	_ =	shalt  }
0x6a: {  	_ =	shalt  }
0x6b: {  	_ =	shalt  }
0x6c: {  	_ =	shalt  }
0x6d: {  	_ =	shalt  }
0x6e: {  	_ =	shalt  }
0x6f: {  	_ =	shalt  }
0x70: {  	_ =	shalt  }
0x71: {  	_ =	shalt  }
0x72: {  	_ =	shalt  }
0x73: {  	_ =	shalt  }
0x74: {  	_ =	shalt  }
0x75: {  	_ =	shalt  }
0x76: {  	_ =	shalt  }
0x77: {  	_ =	shalt  }
0x78: {  	_ =	shalt  }
0x79: {  	_ =	shalt  }
0x7a: {  	_ =	shalt  }
0x7b: {  	_ =	shalt  }
0x7c: {  	_ =	shalt  }
0x7d: {  	_ =	shalt  }
0x7e: {  	_ =	shalt  }
0x7f: {  	_ =	shalt  }
0x80: {  	_ =	shalt  }
0x81: {  	_ =	shalt  }
0x82: {  	_ =	shalt  }
0x83: {  	_ =	shalt  }
0x84: {  	_ =	shalt  }
0x85: {  	_ =	shalt  }
0x86: {  	_ =	shalt  }
0x87: {  	_ =	shalt  }
.Lfunc_end0:
.L_simem_size_0:
called_computation_lowered:
.L_overlay_start_0:
0x88: {  	s2 =	sld [smem:$0x3FD9]  }
0x89: {  	s3 =	sld [smem:$0x3FFE];
	_ =	sdelay $0x1  }
0x8a: {  	s1 =	srdreg.scid  }
0x8b: {  	s0 =	sand.u32 $0x1, s1  }
0x8c: {  	s14 =	sshll.u32 s0, $0xA;
	s2 =	sadd.s32 s3, s2  }
0x8d: {  	s2 =	sadd.s32 s2, s14  }
0x8e: {  	[smem:$0x3FC5] =	sst s2  }
0x8f: {  	_ = 	snop  }
0x90: {  	s2 =	sld [smem:$0x3FD0];
	_ =	sdelay $0x2  }
0x91: {  	s4 =	simm.s32 $0xA;
	s5 =	simm.s32 $0x10;
	s15 =	sld [smem:$0x3FC7]  }
0x92: {  	[smem:s5], [sflag:s4] =	dma.local [hbm:s2], $0x1  }
0x93: {  	_ =	swait.eq [sflag:s4], $0x1  }
0x94: {  	[sflag:s4] =	ssyncset.done $0x0  }
0x95: {  	[sflag:s4] =	ssyncadd.s32 $0xFFFFFFFF  }
0x96: {  	s16 =	sld [smem:$0x11];
	(tm) =	ssettm $0x1  }
0x97: {  	s17 =	sld [smem:$0x3FFB];
	_ =	sdelay $0x3  }
0x98: {  	_ =	strace s17  }
0x99: {  	s4 =	sld [smem:$0x3FFC];
	_ =	sdelay $0x3  }
0x9a: {  	_ =	strace s4  }
0x9b: {  	s4 =	sld [smem:$0x3FFD];
	_ =	sdelay $0x3  }
0x9c: {  	_ =	strace s4  }
0x9d: {  	_ =	strace $0x8FFFFFFF  }
0x9e: {  	s18 =	sld [smem:$0x3FDB];
	_ =	sdelay $0x1  }
0x9f: {  	s19 =	simm.s32 $_scs_section_size  }
0xa0: {  	s6 =	simm.s32 $_size__tile_overlayer_lowered;
	s7 =	simm.s32 $_tile_overlayer_lowered  }
0xa1: {  	s22 =	simm.s32 $0x1BFF;
	s21 =	sshll.u32 s7, $0x1;
	s4 =	sadd.s32 s19, s18  }
0xa2: {  	s8 =	simm.s32 $0x0;
	s20 =	sshll.u32 s6, $0x1;
	s6 =	sadd.s32 s21, s4  }
0xa3: {  	[timem:s8], [sflag:s22] =	dma.local [hbm:s6], s20  }
0xa4: {  	_ =	swait.ge [sflag:s22], s20  }
0xa5: {  	s5 =	ssub.s32 $0x0, s20;
	[sflag:s22] =	ssyncset.done $0x0  }
0xa6: {  	[sflag:s22] =	ssyncadd.s32 s5;
	_ =	sdelay $0x1  }
0xa7: {  	s23 =	simm.s32 $0x1B8B  }
0xa8: {  	_ =	swait.ge [sflag:s23], $0x1  }
0xa9: {  	[sflag:s23] =	ssyncset.done $0x0  }
0xaa: {  	s25 =	simm.s32 $0x1B8E;
	s24 =	sld [smem:$0x3FFE];
	[sflag:s23] =	ssyncadd.s32 $0xFFFFFFFF  }
0xab: {  	s26 =	simm.s32 $execute0_lowered;
	[smem:$0x3FD2] =	sst s25  }
0xac: {  	s6 =	sshll.u32 s26, $0x1;
	_ =	strace $0x80000046;
	[dreg:$0x1] =	wrdreg $0xFFFFFFFF  }
0xad: {  	s28 =	simm.s32 $_size_execute0_lowered;
	s4 =	sadd.s32 s4, s6;
	[dreg:$0x0] =	wrdreg $0x0  }
0xae: {  	s6 =	sshll.u32 s28, $0x1;
	[dreg:$0x2] =	wrdreg s4  }
0xaf: {  	[dreg:$0x3] =	wrdreg s6  }
0xb0: {  	[dreg:$0x4] =	wrdreg $0xC0  }
0xb1: {  	_ =	task [dreg:s8], $0x5FFFF  }
0xb2: {  	[dreg:$0x1] =	wrdreg $0xFFFFFFFF  }
0xb3: {  	[dreg:$0x0] =	wrdreg $0x60  }
0xb4: {  	[dreg:$0x2] =	wrdreg s15  }
0xb5: {  	[dreg:$0x3] =	wrdreg s16  }
0xb6: {  	[dreg:$0x4] =	wrdreg s24  }
0xb7: {  	[dreg:$0x5] =	wrdreg $0x9  }
0xb8: {  	_ =	task.clear_ibuf [dreg:s8], $0x6FFFF;
	_ =	strace $0x90000046  }
0xb9: {  	s29 =	simm.s32 $0x9;
	_ =	strace $0x80000048  }
0xba: {  	_ =	swait.ge [sflag:s29], $0x1  }
0xbb: {  	[sflag:s29] =	ssyncadd.s32 $0xFFFFFFFF  }
0xbc: {  	_ =	strace $0x90000048  }
0xbd: {  	_ =	sfence  }
0xbe: {  	s30 =	sld [smem:$0x0];
	_ =	sdelay $0x2  }
0xbf: {  	s31 =	sshll.u32 s1, $0xD;
	s1 =	sshrl.u32 s1, $0x2  }
0xc0: {  	s3 =	sand.u32 $0x4000, s31;
	s1 =	sadd.s32 s1, s30  }
0xc1: {  	s0 =	sor.u32 s3, s0;
	s1 =	sshll.u32 s1, $0x11  }
0xc2: {  	s0 =	sor.u32 s1, s0  }
0xc3: {  	s0 =	sadd.s32 $0x8F2B, s0  }
0xc4: {  	[sflag:s0] =	ssyncadd.remote.s32 $0x1  }
0xc5: {  	_ =	sfence.sel $0xFFFF  }
0xc6: {  	[dreg:$0x0] =	wrdreg $0xFFFFFFFF;
	(pc) =	sbr.abs _section_cstart, $3  }
0xc7: {  	[dreg:$0x1] =	wrdreg $0xFFFFFFFF  }
0xc8: {  	_ =	task.clear_ibuf [dreg:s8], $0x2FFFF;
	_ =	strace $0x9FFFFFFF  }
0xc9: {  	(tm) =	ssettm $0x7FFFFFFF  }
tec
execute0_lowered:
.L_overlay_start_1:
0x0: {  	(tag) =	ssettag $0x1  }
0x1: {  	s1 =	rddreg [dreg:$0x0];
	s2 =	srdreg.scid  }
0x2: {  	s6 =	rddreg [dreg:$0x1];
	s0 =	stileid.u32;
	s11 =	sand.u32 $0x1, s2  }
0x3: {  	s12 =	rddreg [dreg:$0x2];
	s4 =	sshll.u32 s0, $0x9;
	s5 =	sshll.u32 s11, $0x8  }
0x4: {  	s3 =	simm.s32 $0x0;
	s2 =	rddreg [dreg:$0x3];
	s13 =	sor.u32 s5, s4  }
0x5: {  	[smem:$0x7FF] =	sst s3;
	s4 =	sshrl.u32 s13, $0x3  }
0x6: {  	_ =	strace $0x80000047;
	s5 =	sadd.s32 s6, s4;
	s4 =	simm.s32 $0x2  }
0x7: {  	[tilespmem:s3], [sflag:$0x2] =	stream.linear.gather [hbm4b:s5+s3], $0x80, $0x38;
	[tilespmem:$0x8100] =	vst v63  }
0x8: {  	s14 =	sor.u32 $0x80, s13;
	_ =	swait.ge [sflag:s4], $0x80  }
0x9: {  	s7 =	sshrl.u32 s14, $0x3;
	[sflag:s4] =	ssyncset.done $0x0  }
0xa: {  	s6 =	sadd.s32 s6, s7;
	s7 =	simm.s32 $0x80;
	[sflag:s4] =	ssyncadd.s32 $0xFFFFFF80  }
0xb: {  	[tilespmem:s7], [sflag:$0x2] =	stream.linear.gather [hbm4b:s6+s3], $0x80, $0x38;
	[tilespmem:$0x8100] =	vst v63  }
0xc: {  	_ =	swait.ge [sflag:s4], $0x80  }
0xd: {  	[sflag:s4] =	ssyncset.done $0x0  }
0xe: {  	s8 =	simm.s32 $0x100;
	[sflag:s4] =	ssyncadd.s32 $0xFFFFFF80  }
0xf: {  	[tilespmem:s8], [sflag:$0x1] =	stream.indirect.gather [hbm4b:s1+s7], $0x80, s3, s7, $0xb8;
	[tilespmem:$0x8100] =	vst v63  }
0x10: {  	s9 =	simm.s32 $0x4100;
	s10 =	simm.s32 $0x1  }
0x11: {  	[tilespmem:s9], [sflag:$0x1] =	stream.indirect.gather [hbm4b:s1+s7], $0x80, s7, s7, $0xb8;
	[tilespmem:$0x8100] =	vst v63  }
0x12: {  	_ =	swait.ge [sflag:s10], $0x4000  }
0x13: {  	[sflag:s10] =	ssyncset.done $0x0  }
0x14: {  	s12 =	sadd.s32 $0x1000, s12;
	s15 =	ssub.s32 $0x2, s11;
	[sflag:s10] =	ssyncadd.s32 $0xFFFFC000  }
0x15: {  	s31 =	sshrl.u32 s15, $0x1;
	s13 =	sshll.u32 s13, $0x4;
	_ =	swait.ge [sflag:s10], $0x4000  }
0x16: {  	s11 =	sadd.s32 s12, s13;
	s13 =	ssub.s32 s15, s31;
	[sflag:s10] =	ssyncset.done $0x0  }
0x17: {  	s13 =	smax.u32 s13, $0x1;
	[sflag:s10] =	ssyncadd.s32 $0xFFFFC000  }
0x18: {  	[hbm4b:s11+s3] =	stream.linear.scatter [tilespmem:s8], [sflag:$0x2], $0x4000, $0x38;
	[tilespmem:$0x8100] =	vst v63  }
0x19: {  	p0 =	sne.s32 s13, $0x1;
	_ =	swait.ge [sflag:s4], $0x4000  }
.Ltmp0:
0x1a: {  	s14 =	sshll.u32 s14, $0x4;
	[sflag:s4] =	ssyncset.done $0x0;
	(pc) =	sbr.rel @!p0 .LBB2_2-.Ltmp0, $4  }
0x1b: {  	s12 =	sadd.s32 s12, s14;
	[sflag:s4] =	ssyncadd.s32 $0xFFFFC000  }
0x1c: {  	[hbm4b:s12+s3] =	stream.linear.scatter [tilespmem:s9], [sflag:$0x2], $0x4000, $0x38;
	[tilespmem:$0x8100] =	vst v63  }
0x1d: {  	_ =	swait.ge [sflag:s4], $0x4000  }
0x1e: {  	s13 =	sadd.s32 $0xFFFFFFFF, s13;
	[sflag:s4] =	ssyncset.done $0x0  }
.LBB2_1:
0x1f: {  	p0 =	sne.s32 s13, $0x1;
	s13 =	sadd.s32 $0xFFFFFFFF, s13;
	[sflag:s4] =	ssyncadd.s32 $0xFFFFC000  }
0x20: {  	[tilespmem:s3], [sflag:$0x2] =	stream.linear.gather [hbm4b:s5+s3], $0x80, $0x38;
	[tilespmem:$0x8100] =	vst v63  }
0x21: {  	_ =	swait.ge [sflag:s4], $0x80  }
0x22: {  	[sflag:s4] =	ssyncset.done $0x0  }
0x23: {  	[sflag:s4] =	ssyncadd.s32 $0xFFFFFF80  }
0x24: {  	[tilespmem:s7], [sflag:$0x2] =	stream.linear.gather [hbm4b:s6+s3], $0x80, $0x38;
	[tilespmem:$0x8100] =	vst v63  }
0x25: {  	_ =	swait.ge [sflag:s4], $0x80  }
0x26: {  	[sflag:s4] =	ssyncset.done $0x0  }
0x27: {  	[sflag:s4] =	ssyncadd.s32 $0xFFFFFF80  }
0x28: {  	[tilespmem:s8], [sflag:$0x1] =	stream.indirect.gather [hbm4b:s1+s7], $0x80, s3, s7, $0xb8;
	[tilespmem:$0x8100] =	vst v63  }
0x29: {  	_ = 	snop  }
0x2a: {  	[tilespmem:s9], [sflag:$0x1] =	stream.indirect.gather [hbm4b:s1+s7], $0x80, s7, s7, $0xb8;
	[tilespmem:$0x8100] =	vst v63  }
0x2b: {  	_ =	swait.ge [sflag:s10], $0x4000  }
0x2c: {  	[sflag:s10] =	ssyncset.done $0x0  }
0x2d: {  	[sflag:s10] =	ssyncadd.s32 $0xFFFFC000  }
0x2e: {  	_ =	swait.ge [sflag:s10], $0x4000  }
0x2f: {  	[sflag:s10] =	ssyncset.done $0x0  }
0x30: {  	[sflag:s10] =	ssyncadd.s32 $0xFFFFC000  }
0x31: {  	[hbm4b:s11+s3] =	stream.linear.scatter [tilespmem:s8], [sflag:$0x2], $0x4000, $0x38;
	[tilespmem:$0x8100] =	vst v63  }
0x32: {  	_ =	swait.ge [sflag:s4], $0x4000  }
.Ltmp1:
0x33: {  	[sflag:s4] =	ssyncset.done $0x0;
	(pc) =	sbr.rel @p0 .LBB2_1-.Ltmp1, $4  }
0x34: {  	[sflag:s4] =	ssyncadd.s32 $0xFFFFC000  }
0x35: {  	[hbm4b:s12+s3] =	stream.linear.scatter [tilespmem:s9], [sflag:$0x2], $0x4000, $0x38;
	[tilespmem:$0x8100] =	vst v63  }
0x36: {  	_ =	swait.ge [sflag:s4], $0x4000  }
0x37: {  	[sflag:s4] =	ssyncset.done $0x0  }
.LBB2_2:
0x38: {  	[sflag:s4] =	ssyncadd.s32 $0xFFFFC000  }
0x39: {  	_ =	sfence.sel $0x180000  }
0x3a: {  	[bflag:$0x0] =	sbarrier.arrive $0xFFFF  }
0x3b: {  	p0 =	sne.s32 s0, $0x0;
	_ =	strace $0x90000047  }
0x3c: {  	s0 =	sadd.s32 @!p0 $0x100000, s2;
	[bflag:$0x2] =	sbarrier.arrive $0xFFFF  }
0x3d: {  	[sflag:s0] =	ssyncadd.tile.s32 @!p0 $0x1;
	_ =	shalt  }
.Lfunc_end2:
_tile_overlayer_lowered:
.L_overlay_start_2:
0x3e: {  	(tag) =	ssettag $0x2  }
0x3f: {  	s0 =	rddreg [dreg:$0x0];
	s2 =	stileid.u32  }
0x40: {  	s1 =	rddreg [dreg:$0x1];
	p0 =	sne.s32 s2, $0x0  }
0x41: {  	s3 =	rddreg [dreg:$0x2];
	[bflag:$0x3] =	sbarrier.arrive $0xFFFF;
	s2 =	simm.s32 @!p0 $0x1C02  }
0x42: {  	[timem:s3], [sflag:s2] =	dma.local @!p0 [hbm:s0], s1  }
0x43: {  	s0 =	simm.s32 @!p0 $0x2  }
0x44: {  	_ =	swait.ge @!p0 [sflag:s0], s1  }
0x45: {  	s1 =	ssub.s32 @!p0 $0x0, s1;
	[sflag:s0] =	ssyncset.done @!p0 $0x0  }
0x46: {  	[sflag:s0] =	ssyncadd.s32 @!p0 s1  }
0x47: {  	[bflag:$0x3] =	sbarrier.arrive $0xFFFF  }
0x48: {  	_ =	shalt  }

</sc_bundles>
